<compile_context>
chip_gen: v7x
topology: tpu7x:2x2x1
jax: 0.10.2.dev20260603
libtpu: 0.0.44.dev20260713+nightly
codegen_flags: <defaults>
</compile_context>

<pallas_src>
import jax
import jax.numpy as jnp
from jax import lax
from jax.experimental import pallas as pl
from jax.experimental.pallas import tpu as pltpu
from jax.experimental.pallas import tpu_sc as plsc

MU_ = 0.02
NBINS = 30
N_TOTAL = 400000
NWORK = 16
NBANKS = 4
CHUNK = 25088
LAST = N_TOTAL - (NWORK - 1) * CHUNK
COMMON = LAST
EXTRA = CHUNK - COMMON
HROW = 2 * NBINS * 16
HTOT = NBANKS * HROW
MAGIC = 0x5F3759DF


def _sc_ghmr(pred_f, targ_f, lw_f):
    mesh = plsc.VectorSubcoreMesh(core_axis_name="c", subcore_axis_name="s",
                                  num_cores=1)

    def body(pred_hbm, targ_hbm, lw_hbm, out_hbm, pred_v, targ_v, lw_v,
             hist_v, part_v, shared_v, acc_v, sem):
        sid = lax.axis_index("s")
        wid = sid
        base = wid * CHUNK
        is_full = wid < NWORK - 1

        h1 = pltpu.async_copy(pred_hbm.at[pl.ds(base, COMMON)],
                              pred_v.at[pl.ds(0, COMMON)], sem)
        h2 = pltpu.async_copy(targ_hbm.at[pl.ds(base, COMMON)],
                              targ_v.at[pl.ds(0, COMMON)], sem)
        h3 = pltpu.async_copy(lw_hbm.at[pl.ds(base, COMMON)],
                              lw_v.at[pl.ds(0, COMMON)], sem)

        zeros16 = jnp.zeros((16,), jnp.float32)
        def zrow(j, carry):
            hist_v[pl.ds(j * 16, 16)] = zeros16
            return carry
        lax.fori_loop(0, HTOT // 16, zrow, 0)

        @pl.when(is_full)
        def _():
            pltpu.sync_copy(pred_hbm.at[pl.ds(base + COMMON, EXTRA)],
                            pred_v.at[pl.ds(COMMON, EXTRA)])
            pltpu.sync_copy(targ_hbm.at[pl.ds(base + COMMON, EXTRA)],
                            targ_v.at[pl.ds(COMMON, EXTRA)])
            pltpu.sync_copy(lw_hbm.at[pl.ds(base + COMMON, EXTRA)],
                            lw_v.at[pl.ds(COMMON, EXTRA)])

        h1.wait()
        h2.wait()
        h3.wait()

        lane = lax.iota(jnp.int32, 16)
        ones = jnp.ones((16,), jnp.float32)
        mu2 = jnp.float32(MU_ * MU_)
        mu = jnp.float32(MU_)
        c15 = jnp.float32(1.5)
        nsteps = jnp.where(is_full, CHUNK // 16, COMMON // 16)

        @plsc.parallel_loop(0, nsteps, 1, unroll=NBANKS)
        def _loop(i):
            off = pl.multiple_of(i * 16, 16)
            bank = lax.rem(i, NBANKS) * HROW
            p = pred_v[pl.ds(off, 16)]
            t = targ_v[pl.ds(off, 16)]
            w = lw_v[pl.ds(off, 16)]
            d = p - t
            q = d * d + mu2
            half = q * jnp.float32(0.5)
            ib = MAGIC - lax.shift_right_logical(
                lax.bitcast_convert_type(q, jnp.int32), 1)
            y = lax.bitcast_convert_type(ib, jnp.float32)
            y = y * (c15 - half * y * y)
            y = y * (c15 - half * y * y)
            loss = q * y - mu
            g = jnp.abs(d) * y
            b = lax.convert_element_type(g * jnp.float32(NBINS),
                                         jnp.int32)
            b = jnp.minimum(b, NBINS - 1)
            valid = w > jnp.float32(0.0)
            addr = b * 16 + lane + bank
            plsc.addupdate_scatter(hist_v, [addr], ones, mask=valid)
            plsc.addupdate_scatter(hist_v, [addr + NBINS * 16], loss,
                                   mask=valid)

        plsc.subcore_barrier()

        def fold(r, carry):
            acc = (hist_v[pl.ds(r * 16, 16)]
                   + hist_v[pl.ds(r * 16 + HROW, 16)]
                   + hist_v[pl.ds(r * 16 + 2 * HROW, 16)]
                   + hist_v[pl.ds(r * 16 + 3 * HROW, 16)])
            part_v[pl.ds(r * 16, 16)] = acc
            return carry
        lax.fori_loop(0, 2 * NBINS, fold, 0)
        pltpu.sync_copy(part_v, shared_v.at[pl.ds(sid * HROW, HROW)])
        plsc.subcore_barrier()

        @pl.when(sid == 0)
        def _():
            pltpu.sync_copy(shared_v, acc_v)
            def red(r, carry):
                def red_w(wk, a):
                    return a + acc_v[pl.ds(wk * HROW + r * 16, 16)]
                tot = lax.fori_loop(1, NWORK, red_w,
                                    acc_v[pl.ds(r * 16, 16)])
                acc_v[pl.ds(r * 16, 16)] = tot
                return carry
            lax.fori_loop(0, 2 * NBINS, red, 0)

            vone = jnp.ones((16,), jnp.float32)
            vzero = jnp.zeros((16,), jnp.float32)
            def fin(bb, carry):
                n_vec, r_vec = carry
                c = jnp.sum(acc_v[pl.ds(bb * 16, 16)])
                l = jnp.sum(acc_v[pl.ds((NBINS + bb) * 16, 16)])
                cbv = vone * c
                lbv = vone * l
                nzv = cbv > jnp.float32(0.0)
                n_vec = n_vec + jnp.where(nzv, vone, vzero)
                r_vec = r_vec + jnp.where(
                    nzv, lbv / jnp.maximum(cbv, vone), vzero)
                return (n_vec, r_vec)
            n_vec, r_vec = lax.fori_loop(0, NBINS, fin, (vzero, vzero))
            res_vec = jnp.where(n_vec > jnp.float32(0.0),
                                r_vec / jnp.maximum(n_vec, vone), vzero)
            part_v[pl.ds(0, 16)] = res_vec
            pltpu.sync_copy(part_v.at[pl.ds(0, 16)], out_hbm)


    run = pl.kernel(
        body,
        mesh=mesh,
        out_type=jax.ShapeDtypeStruct((16,), jnp.float32),
        scratch_types=[
            pltpu.VMEM((CHUNK,), jnp.float32),
            pltpu.VMEM((CHUNK,), jnp.float32),
            pltpu.VMEM((CHUNK,), jnp.float32),
            pltpu.VMEM((HTOT,), jnp.float32),
            pltpu.VMEM((2 * NBINS * 16,), jnp.float32),
            pltpu.VMEM_SHARED((NWORK * 2 * NBINS * 16,), jnp.float32),
            pltpu.VMEM((NWORK * 2 * NBINS * 16,), jnp.float32),
            pltpu.SemaphoreType.DMA,
        ],
        compiler_params=pltpu.CompilerParams(needs_layout_passes=False),
    )
    return run(pred_f, targ_f, lw_f)


def kernel(pred, target, label_weight):
    pred_f = jnp.reshape(jnp.transpose(pred), (N_TOTAL,))
    targ_f = jnp.reshape(jnp.transpose(target), (N_TOTAL,))
    lw_f = jnp.reshape(jnp.transpose(label_weight), (N_TOTAL,))
    out = _sc_ghmr(pred_f, targ_f, lw_f)
    return out[0]

# --- scband reference (transcript-rebuilt; emitter-appended) ---
"""Pipeline reference for scband-ghmr-32487132627375 (READ-ONLY COPY).

The authoritative reference and input builder live on the scoring server;
editing this copy changes nothing except your own understanding.
"""

import jax, jax.numpy as jnp
import numpy as np

MU = 0.02
BINS = 30
LOSS_WEIGHT = 1.0
EDGES = [float(x) / BINS for x in range(BINS + 1)]
EDGES[-1] = 1000.0


def setup_inputs(seed: int = 0) -> dict:
    key = jax.random.key(seed)
    k1, k2, k3 = jax.random.split(key, 3)
    N = 100000
    pred = jax.random.normal(k1, (N, 4), dtype=jnp.float32)
    target = jax.random.normal(k2, (N, 4), dtype=jnp.float32)
    # label_weight in [0,1); >0 means valid sample (matches torch semantics)
    label_weight = jax.random.uniform(k3, (N, 4), dtype=jnp.float32)
    return {"pred": pred, "target": target, "label_weight": label_weight}


def reference(pred, target, label_weight):
    mu = MU
    edges = jnp.asarray(EDGES, dtype=jnp.float32)
    diff = pred - target
    # ASL1 (smooth L1-like) loss
    loss = jnp.sqrt(diff * diff + mu * mu) - mu
    # gradient norm g, detached as in torch (.detach())
    g = jax.lax.stop_gradient(jnp.abs(diff / jnp.sqrt(mu * mu + diff * diff)))
    valid = label_weight > 0
    # tot comes from .item() in torch -> constant w.r.t. autodiff
    tot = jnp.maximum(jax.lax.stop_gradient(jnp.sum(label_weight)), 1.0)
    # bin index such that edges[i] <= g < edges[i+1] (vectorized histogram binning)
    bin_idx = jnp.clip(jnp.searchsorted(edges, g, side='right') - 1, 0, BINS - 1)
    # per-bin valid counts via scatter-add
    counts = jnp.zeros((BINS,), dtype=jnp.float32).at[bin_idx].add(valid.astype(jnp.float32))
    n = jnp.sum(counts > 0).astype(jnp.float32)
    cnt_at = counts[bin_idx]
    weights = jnp.where(valid & (cnt_at > 0), tot / jnp.maximum(cnt_at, 1.0), 0.0)
    weights = jnp.where(n > 0, weights / jnp.maximum(n, 1.0), weights)
    loss = jnp.sum(loss * weights) / tot
    return loss * LOSS_WEIGHT

if __name__ == "__main__":
    import jax
    _d = setup_inputs()
    print(jax.jit(kernel)(*tuple(_d.values())))

</pallas_src>

<mosaic_0001>
#map = affine_map<(d0, d1) -> (0)>
module attributes {stable_mosaic.version = 14 : i64} {
  func.func @body(%arg0: i32, %arg1: i32, %arg2: memref<400000xf32, #tpu.memory_space<hbm>>, %arg3: memref<400000xf32, #tpu.memory_space<hbm>>, %arg4: memref<400000xf32, #tpu.memory_space<hbm>>, %arg5: memref<16xf32, #tpu.memory_space<hbm>>, %arg6: memref<25088xf32, #tpu.memory_space<vmem>>, %arg7: memref<25088xf32, #tpu.memory_space<vmem>>, %arg8: memref<25088xf32, #tpu.memory_space<vmem>>, %arg9: memref<3840xf32, #tpu.memory_space<vmem>>, %arg10: memref<960xf32, #tpu.memory_space<vmem>>, %arg11: memref<15360xf32, #tpu.memory_space<vmem_shared>>, %arg12: memref<15360xf32, #tpu.memory_space<vmem>>, %arg13: memref<!tpu.dma_semaphore, #tpu.memory_space<semaphore_mem>>) attributes {dimension_semantics = [#tpu.dimension_semantics<core_parallel>, #tpu.dimension_semantics<subcore_parallel>], iteration_bounds = array<i64: 1, 16>, scalar_prefetch = 0 : i64, scratch_operands = 8 : i64, tpu.core_type = #tpu.core_type<sc_vector_subcore>, window_params = [{transform_indices = #map}, {transform_indices = #map}, {transform_indices = #map}, {transform_indices = #map}]} {
    %mul3A = arith.constant 25088 : i32
    %mul3A_0 = arith.muli %arg1, %mul3A : i32
    %lt3A = arith.constant 15 : i32
    %lt3A_1 = arith.cmpi slt, %arg1, %lt3A : i32
    %dma_start3A = arith.constant 0 : i32
    %dma_start3A_2 = tpu.memref_slice %arg6[%dma_start3A] : memref<25088xf32, #tpu.memory_space<vmem>> -> memref<23680xf32, #tpu.memory_space<vmem>>
    %dma_start3A_3 = tpu.memref_slice %arg2[%mul3A_0] : memref<400000xf32, #tpu.memory_space<hbm>> -> memref<23680xf32, #tpu.memory_space<hbm>>
    %dma_start3A_4 = arith.constant 0 : i32
    %dma_start3A_5 = tpu.memref_slice %arg6[%dma_start3A_4] : memref<25088xf32, #tpu.memory_space<vmem>> -> memref<23680xf32, #tpu.memory_space<vmem>>
    %dma_start3A_6 = tpu.memref_slice %arg2[%mul3A_0] : memref<400000xf32, #tpu.memory_space<hbm>> -> memref<23680xf32, #tpu.memory_space<hbm>>
    tpu.enqueue_dma source(%dma_start3A_6 : memref<23680xf32, #tpu.memory_space<hbm>>) target(%dma_start3A_5 : memref<23680xf32, #tpu.memory_space<vmem>>) target_semaphore(%arg13 : memref<!tpu.dma_semaphore, #tpu.memory_space<semaphore_mem>>)
    %dma_start3A_7 = arith.constant 0 : i32
    %dma_start3A_8 = tpu.memref_slice %arg7[%dma_start3A_7] : memref<25088xf32, #tpu.memory_space<vmem>> -> memref<23680xf32, #tpu.memory_space<vmem>>
    %dma_start3A_9 = tpu.memref_slice %arg3[%mul3A_0] : memref<400000xf32, #tpu.memory_space<hbm>> -> memref<23680xf32, #tpu.memory_space<hbm>>
    %dma_start3A_10 = arith.constant 0 : i32
    %dma_start3A_11 = tpu.memref_slice %arg7[%dma_start3A_10] : memref<25088xf32, #tpu.memory_space<vmem>> -> memref<23680xf32, #tpu.memory_space<vmem>>
    %dma_start3A_12 = tpu.memref_slice %arg3[%mul3A_0] : memref<400000xf32, #tpu.memory_space<hbm>> -> memref<23680xf32, #tpu.memory_space<hbm>>
    tpu.enqueue_dma source(%dma_start3A_12 : memref<23680xf32, #tpu.memory_space<hbm>>) target(%dma_start3A_11 : memref<23680xf32, #tpu.memory_space<vmem>>) target_semaphore(%arg13 : memref<!tpu.dma_semaphore, #tpu.memory_space<semaphore_mem>>)
    %dma_start3A_13 = arith.constant 0 : i32
    %dma_start3A_14 = tpu.memref_slice %arg8[%dma_start3A_13] : memref<25088xf32, #tpu.memory_space<vmem>> -> memref<23680xf32, #tpu.memory_space<vmem>>
    %dma_start3A_15 = tpu.memref_slice %arg4[%mul3A_0] : memref<400000xf32, #tpu.memory_space<hbm>> -> memref<23680xf32, #tpu.memory_space<hbm>>
    %dma_start3A_16 = arith.constant 0 : i32
    %dma_start3A_17 = tpu.memref_slice %arg8[%dma_start3A_16] : memref<25088xf32, #tpu.memory_space<vmem>> -> memref<23680xf32, #tpu.memory_space<vmem>>
    %dma_start3A_18 = tpu.memref_slice %arg4[%mul3A_0] : memref<400000xf32, #tpu.memory_space<hbm>> -> memref<23680xf32, #tpu.memory_space<hbm>>
    tpu.enqueue_dma source(%dma_start3A_18 : memref<23680xf32, #tpu.memory_space<hbm>>) target(%dma_start3A_17 : memref<23680xf32, #tpu.memory_space<vmem>>) target_semaphore(%arg13 : memref<!tpu.dma_semaphore, #tpu.memory_space<semaphore_mem>>)
    %broadcast_in_dim3A = arith.constant 0.000000e+00 : f32
    %broadcast_in_dim3A_19 = vector.broadcast %broadcast_in_dim3A : f32 to vector<16xf32>
    %scan3A = arith.constant 0 : i32
    %scan3A_20 = arith.constant 0 : i32
    %scan3A_21 = arith.constant 240 : i32
    %scan3A_22 = arith.addi %scan3A_20, %scan3A_21 : i32
    %scan3A_23 = arith.constant 1 : i32
    scf.for %scan3A_63 = %scan3A_20 to %scan3A_22 step %scan3A_23  : i32 {
      %mul3A_64 = arith.constant 16 : i32
      %mul3A_65 = arith.muli %scan3A_63, %mul3A_64 : i32
      %swap3A = arith.index_cast %mul3A_65 : i32 to index
      %swap3A_66 = tpu.vector_load %arg9[%swap3A] {strides = array<i32>} : memref<3840xf32, #tpu.memory_space<vmem>>, vector<16xf32>,
      tpu.vector_store %arg9[%swap3A], %broadcast_in_dim3A_19 {strides = array<i32>} : memref<3840xf32, #tpu.memory_space<vmem>>, vector<16xf32>,
    }
    %scan3A_24 = arith.constant 240 : i32
    %convert_element_type3A = arith.extui %lt3A_1 : i1 to i32
    %cond3A = arith.constant 0 : i32
    %cond3A_25 = arith.cmpi ne, %convert_element_type3A, %cond3A : i32
    scf.if %cond3A_25 {
      %add3A = arith.constant 23680 : i32
      %add3A_63 = arith.addi %mul3A_0, %add3A : i32
      "tpu.region"() ({
        %run_scoped3A = tpu.sem_alloc : memref<!tpu.dma_semaphore, #tpu.memory_space<semaphore_mem>>
        %dma_start3A_68 = arith.constant 23680 : i32
        %dma_start3A_69 = tpu.memref_slice %arg6[%dma_start3A_68] : memref<25088xf32, #tpu.memory_space<vmem>> -> memref<1408xf32, #tpu.memory_space<vmem>>
        %dma_start3A_70 = tpu.memref_slice %arg2[%add3A_63] : memref<400000xf32, #tpu.memory_space<hbm>> -> memref<1408xf32, #tpu.memory_space<hbm>>
        %dma_start3A_71 = arith.constant 23680 : i32
        %dma_start3A_72 = tpu.memref_slice %arg6[%dma_start3A_71] : memref<25088xf32, #tpu.memory_space<vmem>> -> memref<1408xf32, #tpu.memory_space<vmem>>
        %dma_start3A_73 = tpu.memref_slice %arg2[%add3A_63] : memref<400000xf32, #tpu.memory_space<hbm>> -> memref<1408xf32, #tpu.memory_space<hbm>>
        tpu.enqueue_dma source(%dma_start3A_73 : memref<1408xf32, #tpu.memory_space<hbm>>) target(%dma_start3A_72 : memref<1408xf32, #tpu.memory_space<vmem>>) target_semaphore(%run_scoped3A : memref<!tpu.dma_semaphore, #tpu.memory_space<semaphore_mem>>)
        %dma_wait3A_74 = arith.constant 23680 : i32
        %dma_wait3A_75 = tpu.memref_slice %arg6[%dma_wait3A_74] : memref<25088xf32, #tpu.memory_space<vmem>> -> memref<1408xf32, #tpu.memory_space<vmem>>
        %dma_wait3A_76 = tpu.memref_slice %arg2[%add3A_63] : memref<400000xf32, #tpu.memory_space<hbm>> -> memref<1408xf32, #tpu.memory_space<hbm>>
        %dma_wait3A_77 = arith.constant 23680 : i32
        %dma_wait3A_78 = tpu.memref_slice %arg6[%dma_wait3A_77] : memref<25088xf32, #tpu.memory_space<vmem>> -> memref<1408xf32, #tpu.memory_space<vmem>>
        %dma_wait3A_79 = tpu.memref_slice %arg2[%add3A_63] : memref<400000xf32, #tpu.memory_space<hbm>> -> memref<1408xf32, #tpu.memory_space<hbm>>
        tpu.wait_dma2 semaphore(%run_scoped3A : memref<!tpu.dma_semaphore, #tpu.memory_space<semaphore_mem>>) src(%dma_wait3A_79 : memref<1408xf32, #tpu.memory_space<hbm>>) dst(%dma_wait3A_78 : memref<1408xf32, #tpu.memory_space<vmem>>)
        tpu.yield
      }) : () -> ()
      %add3A_64 = arith.constant 23680 : i32
      %add3A_65 = arith.addi %mul3A_0, %add3A_64 : i32
      "tpu.region"() ({
        %run_scoped3A = tpu.sem_alloc : memref<!tpu.dma_semaphore, #tpu.memory_space<semaphore_mem>>
        %dma_start3A_68 = arith.constant 23680 : i32
        %dma_start3A_69 = tpu.memref_slice %arg7[%dma_start3A_68] : memref<25088xf32, #tpu.memory_space<vmem>> -> memref<1408xf32, #tpu.memory_space<vmem>>
        %dma_start3A_70 = tpu.memref_slice %arg3[%add3A_65] : memref<400000xf32, #tpu.memory_space<hbm>> -> memref<1408xf32, #tpu.memory_space<hbm>>
        %dma_start3A_71 = arith.constant 23680 : i32
        %dma_start3A_72 = tpu.memref_slice %arg7[%dma_start3A_71] : memref<25088xf32, #tpu.memory_space<vmem>> -> memref<1408xf32, #tpu.memory_space<vmem>>
        %dma_start3A_73 = tpu.memref_slice %arg3[%add3A_65] : memref<400000xf32, #tpu.memory_space<hbm>> -> memref<1408xf32, #tpu.memory_space<hbm>>
        tpu.enqueue_dma source(%dma_start3A_73 : memref<1408xf32, #tpu.memory_space<hbm>>) target(%dma_start3A_72 : memref<1408xf32, #tpu.memory_space<vmem>>) target_semaphore(%run_scoped3A : memref<!tpu.dma_semaphore, #tpu.memory_space<semaphore_mem>>)
        %dma_wait3A_74 = arith.constant 23680 : i32
        %dma_wait3A_75 = tpu.memref_slice %arg7[%dma_wait3A_74] : memref<25088xf32, #tpu.memory_space<vmem>> -> memref<1408xf32, #tpu.memory_space<vmem>>
        %dma_wait3A_76 = tpu.memref_slice %arg3[%add3A_65] : memref<400000xf32, #tpu.memory_space<hbm>> -> memref<1408xf32, #tpu.memory_space<hbm>>
        %dma_wait3A_77 = arith.constant 23680 : i32
        %dma_wait3A_78 = tpu.memref_slice %arg7[%dma_wait3A_77] : memref<25088xf32, #tpu.memory_space<vmem>> -> memref<1408xf32, #tpu.memory_space<vmem>>
        %dma_wait3A_79 = tpu.memref_slice %arg3[%add3A_65] : memref<400000xf32, #tpu.memory_space<hbm>> -> memref<1408xf32, #tpu.memory_space<hbm>>
        tpu.wait_dma2 semaphore(%run_scoped3A : memref<!tpu.dma_semaphore, #tpu.memory_space<semaphore_mem>>) src(%dma_wait3A_79 : memref<1408xf32, #tpu.memory_space<hbm>>) dst(%dma_wait3A_78 : memref<1408xf32, #tpu.memory_space<vmem>>)
        tpu.yield
      }) : () -> ()
      %add3A_66 = arith.constant 23680 : i32
      %add3A_67 = arith.addi %mul3A_0, %add3A_66 : i32
      "tpu.region"() ({
        %run_scoped3A = tpu.sem_alloc : memref<!tpu.dma_semaphore, #tpu.memory_space<semaphore_mem>>
        %dma_start3A_68 = arith.constant 23680 : i32
        %dma_start3A_69 = tpu.memref_slice %arg8[%dma_start3A_68] : memref<25088xf32, #tpu.memory_space<vmem>> -> memref<1408xf32, #tpu.memory_space<vmem>>
        %dma_start3A_70 = tpu.memref_slice %arg4[%add3A_67] : memref<400000xf32, #tpu.memory_space<hbm>> -> memref<1408xf32, #tpu.memory_space<hbm>>
        %dma_start3A_71 = arith.constant 23680 : i32
        %dma_start3A_72 = tpu.memref_slice %arg8[%dma_start3A_71] : memref<25088xf32, #tpu.memory_space<vmem>> -> memref<1408xf32, #tpu.memory_space<vmem>>
        %dma_start3A_73 = tpu.memref_slice %arg4[%add3A_67] : memref<400000xf32, #tpu.memory_space<hbm>> -> memref<1408xf32, #tpu.memory_space<hbm>>
        tpu.enqueue_dma source(%dma_start3A_73 : memref<1408xf32, #tpu.memory_space<hbm>>) target(%dma_start3A_72 : memref<1408xf32, #tpu.memory_space<vmem>>) target_semaphore(%run_scoped3A : memref<!tpu.dma_semaphore, #tpu.memory_space<semaphore_mem>>)
        %dma_wait3A_74 = arith.constant 23680 : i32
        %dma_wait3A_75 = tpu.memref_slice %arg8[%dma_wait3A_74] : memref<25088xf32, #tpu.memory_space<vmem>> -> memref<1408xf32, #tpu.memory_space<vmem>>
        %dma_wait3A_76 = tpu.memref_slice %arg4[%add3A_67] : memref<400000xf32, #tpu.memory_space<hbm>> -> memref<1408xf32, #tpu.memory_space<hbm>>
        %dma_wait3A_77 = arith.constant 23680 : i32
        %dma_wait3A_78 = tpu.memref_slice %arg8[%dma_wait3A_77] : memref<25088xf32, #tpu.memory_space<vmem>> -> memref<1408xf32, #tpu.memory_space<vmem>>
        %dma_wait3A_79 = tpu.memref_slice %arg4[%add3A_67] : memref<400000xf32, #tpu.memory_space<hbm>> -> memref<1408xf32, #tpu.memory_space<hbm>>
        tpu.wait_dma2 semaphore(%run_scoped3A : memref<!tpu.dma_semaphore, #tpu.memory_space<semaphore_mem>>) src(%dma_wait3A_79 : memref<1408xf32, #tpu.memory_space<hbm>>) dst(%dma_wait3A_78 : memref<1408xf32, #tpu.memory_space<vmem>>)
        tpu.yield
      }) : () -> ()
    } else {
    }
    %dma_wait3A = arith.constant 0 : i32
    %dma_wait3A_26 = tpu.memref_slice %arg6[%dma_wait3A] : memref<25088xf32, #tpu.memory_space<vmem>> -> memref<23680xf32, #tpu.memory_space<vmem>>
    %dma_wait3A_27 = tpu.memref_slice %arg2[%mul3A_0] : memref<400000xf32, #tpu.memory_space<hbm>> -> memref<23680xf32, #tpu.memory_space<hbm>>
    %dma_wait3A_28 = arith.constant 0 : i32
    %dma_wait3A_29 = tpu.memref_slice %arg6[%dma_wait3A_28] : memref<25088xf32, #tpu.memory_space<vmem>> -> memref<23680xf32, #tpu.memory_space<vmem>>
    %dma_wait3A_30 = tpu.memref_slice %arg2[%mul3A_0] : memref<400000xf32, #tpu.memory_space<hbm>> -> memref<23680xf32, #tpu.memory_space<hbm>>
    tpu.wait_dma2 semaphore(%arg13 : memref<!tpu.dma_semaphore, #tpu.memory_space<semaphore_mem>>) src(%dma_wait3A_30 : memref<23680xf32, #tpu.memory_space<hbm>>) dst(%dma_wait3A_29 : memref<23680xf32, #tpu.memory_space<vmem>>)
    %dma_wait3A_31 = arith.constant 0 : i32
    %dma_wait3A_32 = tpu.memref_slice %arg7[%dma_wait3A_31] : memref<25088xf32, #tpu.memory_space<vmem>> -> memref<23680xf32, #tpu.memory_space<vmem>>
    %dma_wait3A_33 = tpu.memref_slice %arg3[%mul3A_0] : memref<400000xf32, #tpu.memory_space<hbm>> -> memref<23680xf32, #tpu.memory_space<hbm>>
    %dma_wait3A_34 = arith.constant 0 : i32
    %dma_wait3A_35 = tpu.memref_slice %arg7[%dma_wait3A_34] : memref<25088xf32, #tpu.memory_space<vmem>> -> memref<23680xf32, #tpu.memory_space<vmem>>
    %dma_wait3A_36 = tpu.memref_slice %arg3[%mul3A_0] : memref<400000xf32, #tpu.memory_space<hbm>> -> memref<23680xf32, #tpu.memory_space<hbm>>
    tpu.wait_dma2 semaphore(%arg13 : memref<!tpu.dma_semaphore, #tpu.memory_space<semaphore_mem>>) src(%dma_wait3A_36 : memref<23680xf32, #tpu.memory_space<hbm>>) dst(%dma_wait3A_35 : memref<23680xf32, #tpu.memory_space<vmem>>)
    %dma_wait3A_37 = arith.constant 0 : i32
    %dma_wait3A_38 = tpu.memref_slice %arg8[%dma_wait3A_37] : memref<25088xf32, #tpu.memory_space<vmem>> -> memref<23680xf32, #tpu.memory_space<vmem>>
    %dma_wait3A_39 = tpu.memref_slice %arg4[%mul3A_0] : memref<400000xf32, #tpu.memory_space<hbm>> -> memref<23680xf32, #tpu.memory_space<hbm>>
    %dma_wait3A_40 = arith.constant 0 : i32
    %dma_wait3A_41 = tpu.memref_slice %arg8[%dma_wait3A_40] : memref<25088xf32, #tpu.memory_space<vmem>> -> memref<23680xf32, #tpu.memory_space<vmem>>
    %dma_wait3A_42 = tpu.memref_slice %arg4[%mul3A_0] : memref<400000xf32, #tpu.memory_space<hbm>> -> memref<23680xf32, #tpu.memory_space<hbm>>
    tpu.wait_dma2 semaphore(%arg13 : memref<!tpu.dma_semaphore, #tpu.memory_space<semaphore_mem>>) src(%dma_wait3A_42 : memref<23680xf32, #tpu.memory_space<hbm>>) dst(%dma_wait3A_41 : memref<23680xf32, #tpu.memory_space<vmem>>)
    %iota3A = tpu.iota {dimensions = array<i32: 0>} : vector<16xi32>
    %broadcast_in_dim3A_43 = arith.constant 1.000000e+00 : f32
    %broadcast_in_dim3A_44 = vector.broadcast %broadcast_in_dim3A_43 : f32 to vector<16xf32>
    %jit3A = arith.constant 1568 : i32
    %jit3A_45 = arith.constant 1480 : i32
    %select_n3A = arith.select %lt3A_1, %jit3A, %jit3A_45 : i32
    %parallel_loop3A = arith.constant 0 : i32
    %parallel_loop3A_46 = arith.constant 1 : i32
    %parallel_loop3A_47 = arith.constant 4.000000e-04 : f32
    %parallel_loop3A_48 = arith.constant 1.500000e+00 : f32
    %parallel_loop3A_49 = arith.constant 2.000000e-02 : f32
    scf.for %parallel_loop3A_63 = %parallel_loop3A to %select_n3A step %parallel_loop3A_46  : i32 {
      %parallel_loop3A_64 = arith.constant 16 : i32
      %parallel_loop3A_65 = arith.muli %parallel_loop3A_63, %parallel_loop3A_64 : i32
      %parallel_loop3A_66 = tpu.assume_multiple %parallel_loop3A_65, 16 : i32
      %parallel_loop3A_67 = arith.constant 4 : i32
      %parallel_loop3A_68 = arith.remsi %parallel_loop3A_63, %parallel_loop3A_67 : i32
      %parallel_loop3A_69 = arith.constant 960 : i32
      %parallel_loop3A_70 = arith.muli %parallel_loop3A_68, %parallel_loop3A_69 : i32
      %parallel_loop3A_71 = arith.index_cast %parallel_loop3A_66 : i32 to index
      %parallel_loop3A_72 = tpu.vector_load %arg6[%parallel_loop3A_71] {strides = array<i32>} : memref<25088xf32, #tpu.memory_space<vmem>>, vector<16xf32>,
      %parallel_loop3A_73 = arith.index_cast %parallel_loop3A_66 : i32 to index
      %parallel_loop3A_74 = tpu.vector_load %arg7[%parallel_loop3A_73] {strides = array<i32>} : memref<25088xf32, #tpu.memory_space<vmem>>, vector<16xf32>,
      %parallel_loop3A_75 = arith.index_cast %parallel_loop3A_66 : i32 to index
      %parallel_loop3A_76 = tpu.vector_load %arg8[%parallel_loop3A_75] {strides = array<i32>} : memref<25088xf32, #tpu.memory_space<vmem>>, vector<16xf32>,
      %parallel_loop3A_77 = arith.subf %parallel_loop3A_72, %parallel_loop3A_74 : vector<16xf32>
      %parallel_loop3A_78 = arith.mulf %parallel_loop3A_77, %parallel_loop3A_77 : vector<16xf32>
      %parallel_loop3A_79 = vector.broadcast %parallel_loop3A_47 : f32 to vector<16xf32>
      %parallel_loop3A_80 = arith.addf %parallel_loop3A_78, %parallel_loop3A_79 : vector<16xf32>
      %parallel_loop3A_81 = arith.constant 5.000000e-01 : f32
      %parallel_loop3A_82 = vector.broadcast %parallel_loop3A_81 : f32 to vector<16xf32>
      %parallel_loop3A_83 = arith.mulf %parallel_loop3A_80, %parallel_loop3A_82 : vector<16xf32>
      %parallel_loop3A_84 = tpu.bitcast %parallel_loop3A_80 : vector<16xf32> -> vector<16xi32>
      %parallel_loop3A_85 = arith.constant 1 : i32
      %parallel_loop3A_86 = vector.broadcast %parallel_loop3A_85 : i32 to vector<16xi32>
      %parallel_loop3A_87 = arith.shrui %parallel_loop3A_84, %parallel_loop3A_86 : vector<16xi32>
      %parallel_loop3A_88 = arith.constant 1597463007 : i32
      %parallel_loop3A_89 = vector.broadcast %parallel_loop3A_88 : i32 to vector<16xi32>
      %parallel_loop3A_90 = arith.subi %parallel_loop3A_89, %parallel_loop3A_87 : vector<16xi32>
      %parallel_loop3A_91 = tpu.bitcast %parallel_loop3A_90 : vector<16xi32> -> vector<16xf32>
      %parallel_loop3A_92 = arith.mulf %parallel_loop3A_83, %parallel_loop3A_91 : vector<16xf32>
      %parallel_loop3A_93 = arith.mulf %parallel_loop3A_92, %parallel_loop3A_91 : vector<16xf32>
      %parallel_loop3A_94 = vector.broadcast %parallel_loop3A_48 : f32 to vector<16xf32>
      %parallel_loop3A_95 = arith.subf %parallel_loop3A_94, %parallel_loop3A_93 : vector<16xf32>
      %parallel_loop3A_96 = arith.mulf %parallel_loop3A_91, %parallel_loop3A_95 : vector<16xf32>
      %parallel_loop3A_97 = arith.mulf %parallel_loop3A_83, %parallel_loop3A_96 : vector<16xf32>
      %parallel_loop3A_98 = arith.mulf %parallel_loop3A_97, %parallel_loop3A_96 : vector<16xf32>
      %parallel_loop3A_99 = vector.broadcast %parallel_loop3A_48 : f32 to vector<16xf32>
      %parallel_loop3A_100 = arith.subf %parallel_loop3A_99, %parallel_loop3A_98 : vector<16xf32>
      %parallel_loop3A_101 = arith.mulf %parallel_loop3A_96, %parallel_loop3A_100 : vector<16xf32>
      %parallel_loop3A_102 = arith.mulf %parallel_loop3A_80, %parallel_loop3A_101 : vector<16xf32>
      %parallel_loop3A_103 = vector.broadcast %parallel_loop3A_49 : f32 to vector<16xf32>
      %parallel_loop3A_104 = arith.subf %parallel_loop3A_102, %parallel_loop3A_103 : vector<16xf32>
      %parallel_loop3A_105 = math.absf %parallel_loop3A_77 : vector<16xf32>
      %parallel_loop3A_106 = arith.mulf %parallel_loop3A_105, %parallel_loop3A_101 : vector<16xf32>
      %parallel_loop3A_107 = arith.constant 3.000000e+01 : f32
      %parallel_loop3A_108 = vector.broadcast %parallel_loop3A_107 : f32 to vector<16xf32>
      %parallel_loop3A_109 = arith.mulf %parallel_loop3A_106, %parallel_loop3A_108 : vector<16xf32>
      %parallel_loop3A_110 = arith.fptosi %parallel_loop3A_109 : vector<16xf32> to vector<16xi32>
      %parallel_loop3A_111 = arith.constant 29 : i32
      %parallel_loop3A_112 = vector.broadcast %parallel_loop3A_111 : i32 to vector<16xi32>
      %parallel_loop3A_113 = arith.minsi %parallel_loop3A_110, %parallel_loop3A_112 : vector<16xi32>
      %parallel_loop3A_114 = arith.constant 0.000000e+00 : f32
      %parallel_loop3A_115 = vector.broadcast %parallel_loop3A_114 : f32 to vector<16xf32>
      %parallel_loop3A_116 = arith.cmpf ogt, %parallel_loop3A_76, %parallel_loop3A_115 : vector<16xf32>
      %parallel_loop3A_117 = arith.constant 16 : i32
      %parallel_loop3A_118 = vector.broadcast %parallel_loop3A_117 : i32 to vector<16xi32>
      %parallel_loop3A_119 = arith.muli %parallel_loop3A_113, %parallel_loop3A_118 : vector<16xi32>
      %parallel_loop3A_120 = arith.addi %parallel_loop3A_119, %iota3A : vector<16xi32>
      %parallel_loop3A_121 = vector.broadcast %parallel_loop3A_70 : i32 to vector<16xi32>
      %parallel_loop3A_122 = arith.addi %parallel_loop3A_120, %parallel_loop3A_121 : vector<16xi32>
      tpu.vector_store_idx %arg9[%parallel_loop3A_122], %broadcast_in_dim3A_44 masked %parallel_loop3A_116 {add = true} : memref<3840xf32, #tpu.memory_space<vmem>>[vector<16xi32>], vector<16xf32>, vector<16xi1>
      %parallel_loop3A_123 = arith.constant 480 : i32
      %parallel_loop3A_124 = vector.broadcast %parallel_loop3A_123 : i32 to vector<16xi32>
      %parallel_loop3A_125 = arith.addi %parallel_loop3A_122, %parallel_loop3A_124 : vector<16xi32>
      tpu.vector_store_idx %arg9[%parallel_loop3A_125], %parallel_loop3A_104 masked %parallel_loop3A_116 {add = true} : memref<3840xf32, #tpu.memory_space<vmem>>[vector<16xi32>], vector<16xf32>, vector<16xi1>
    } {sc.loop_unroll_factor = 4 : i64, sc.parallel_access}
    %barrier3A = arith.constant 0 : index
    tpu.barrier barrier_id(%barrier3A)
    %scan3A_50 = arith.constant 0 : i32
    %scan3A_51 = arith.constant 0 : i32
    %scan3A_52 = arith.constant 60 : i32
    %scan3A_53 = arith.addi %scan3A_51, %scan3A_52 : i32
    %scan3A_54 = arith.constant 1 : i32
    scf.for %scan3A_63 = %scan3A_51 to %scan3A_53 step %scan3A_54  : i32 {
      %mul3A_64 = arith.constant 16 : i32
      %mul3A_65 = arith.muli %scan3A_63, %mul3A_64 : i32
      %get3A = arith.index_cast %mul3A_65 : i32 to index
      %get3A_66 = tpu.vector_load %arg9[%get3A] {strides = array<i32>} : memref<3840xf32, #tpu.memory_space<vmem>>, vector<16xf32>,
      %mul3A_67 = arith.constant 16 : i32
      %mul3A_68 = arith.muli %scan3A_63, %mul3A_67 : i32
      %add3A = arith.constant 960 : i32
      %add3A_69 = arith.addi %mul3A_68, %add3A : i32
      %get3A_70 = arith.index_cast %add3A_69 : i32 to index
      %get3A_71 = tpu.vector_load %arg9[%get3A_70] {strides = array<i32>} : memref<3840xf32, #tpu.memory_space<vmem>>, vector<16xf32>,
      %add3A_72 = arith.addf %get3A_66, %get3A_71 : vector<16xf32>
      %mul3A_73 = arith.constant 16 : i32
      %mul3A_74 = arith.muli %scan3A_63, %mul3A_73 : i32
      %add3A_75 = arith.constant 1920 : i32
      %add3A_76 = arith.addi %mul3A_74, %add3A_75 : i32
      %get3A_77 = arith.index_cast %add3A_76 : i32 to index
      %get3A_78 = tpu.vector_load %arg9[%get3A_77] {strides = array<i32>} : memref<3840xf32, #tpu.memory_space<vmem>>, vector<16xf32>,
      %add3A_79 = arith.addf %add3A_72, %get3A_78 : vector<16xf32>
      %mul3A_80 = arith.constant 16 : i32
      %mul3A_81 = arith.muli %scan3A_63, %mul3A_80 : i32
      %add3A_82 = arith.constant 2880 : i32
      %add3A_83 = arith.addi %mul3A_81, %add3A_82 : i32
      %get3A_84 = arith.index_cast %add3A_83 : i32 to index
      %get3A_85 = tpu.vector_load %arg9[%get3A_84] {strides = array<i32>} : memref<3840xf32, #tpu.memory_space<vmem>>, vector<16xf32>,
      %add3A_86 = arith.addf %add3A_79, %get3A_85 : vector<16xf32>
      %mul3A_87 = arith.constant 16 : i32
      %mul3A_88 = arith.muli %scan3A_63, %mul3A_87 : i32
      %swap3A = arith.index_cast %mul3A_88 : i32 to index
      %swap3A_89 = tpu.vector_load %arg10[%swap3A] {strides = array<i32>} : memref<960xf32, #tpu.memory_space<vmem>>, vector<16xf32>,
      tpu.vector_store %arg10[%swap3A], %add3A_86 {strides = array<i32>} : memref<960xf32, #tpu.memory_space<vmem>>, vector<16xf32>,
    }
    %scan3A_55 = arith.constant 60 : i32
    %mul3A_56 = arith.constant 960 : i32
    %mul3A_57 = arith.muli %arg1, %mul3A_56 : i32
    "tpu.region"() ({
      %run_scoped3A = tpu.sem_alloc : memref<!tpu.dma_semaphore, #tpu.memory_space<semaphore_mem>>
      %dma_start3A_63 = tpu.memref_slice %arg11[%mul3A_57] : memref<15360xf32, #tpu.memory_space<vmem_shared>> -> memref<960xf32, #tpu.memory_space<vmem_shared>>
      %dma_start3A_64 = tpu.memref_slice %arg11[%mul3A_57] : memref<15360xf32, #tpu.memory_space<vmem_shared>> -> memref<960xf32, #tpu.memory_space<vmem_shared>>
      tpu.enqueue_dma source(%arg10 : memref<960xf32, #tpu.memory_space<vmem>>) target(%dma_start3A_64 : memref<960xf32, #tpu.memory_space<vmem_shared>>) target_semaphore(%run_scoped3A : memref<!tpu.dma_semaphore, #tpu.memory_space<semaphore_mem>>)
      %dma_wait3A_65 = tpu.memref_slice %arg11[%mul3A_57] : memref<15360xf32, #tpu.memory_space<vmem_shared>> -> memref<960xf32, #tpu.memory_space<vmem_shared>>
      %dma_wait3A_66 = tpu.memref_slice %arg11[%mul3A_57] : memref<15360xf32, #tpu.memory_space<vmem_shared>> -> memref<960xf32, #tpu.memory_space<vmem_shared>>
      tpu.wait_dma2 semaphore(%run_scoped3A : memref<!tpu.dma_semaphore, #tpu.memory_space<semaphore_mem>>) src(%arg10 : memref<960xf32, #tpu.memory_space<vmem>>) dst(%dma_wait3A_66 : memref<960xf32, #tpu.memory_space<vmem_shared>>)
      tpu.yield
    }) : () -> ()
    %barrier3A_58 = arith.constant 0 : index
    tpu.barrier barrier_id(%barrier3A_58)
    %eq3A = arith.constant 0 : i32
    %eq3A_59 = arith.cmpi eq, %arg1, %eq3A : i32
    %convert_element_type3A_60 = arith.extui %eq3A_59 : i1 to i32
    %cond3A_61 = arith.constant 0 : i32
    %cond3A_62 = arith.cmpi ne, %convert_element_type3A_60, %cond3A_61 : i32
    scf.if %cond3A_62 {
      "tpu.region"() ({
        %run_scoped3A = tpu.sem_alloc : memref<!tpu.dma_semaphore, #tpu.memory_space<semaphore_mem>>
        tpu.enqueue_dma source(%arg11 : memref<15360xf32, #tpu.memory_space<vmem_shared>>) target(%arg12 : memref<15360xf32, #tpu.memory_space<vmem>>) target_semaphore(%run_scoped3A : memref<!tpu.dma_semaphore, #tpu.memory_space<semaphore_mem>>)
        tpu.wait_dma2 semaphore(%run_scoped3A : memref<!tpu.dma_semaphore, #tpu.memory_space<semaphore_mem>>) src(%arg11 : memref<15360xf32, #tpu.memory_space<vmem_shared>>) dst(%arg12 : memref<15360xf32, #tpu.memory_space<vmem>>)
        tpu.yield
      }) : () -> ()
      %scan3A_63 = arith.constant 0 : i32
      %scan3A_64 = arith.constant 0 : i32
      %scan3A_65 = arith.constant 60 : i32
      %scan3A_66 = arith.addi %scan3A_64, %scan3A_65 : i32
      %scan3A_67 = arith.constant 1 : i32
      scf.for %scan3A_83 = %scan3A_64 to %scan3A_66 step %scan3A_67  : i32 {
        %mul3A_84 = arith.constant 16 : i32
        %mul3A_85 = arith.muli %scan3A_83, %mul3A_84 : i32
        %get3A = arith.index_cast %mul3A_85 : i32 to index
        %get3A_86 = tpu.vector_load %arg12[%get3A] {strides = array<i32>} : memref<15360xf32, #tpu.memory_space<vmem>>, vector<16xf32>,
        %scan3A_87 = arith.constant 1 : i32
        %scan3A_88 = arith.constant 15 : i32
        %scan3A_89 = arith.addi %scan3A_87, %scan3A_88 : i32
        %scan3A_90 = arith.constant 1 : i32
        %scan3A_91 = scf.for %scan3A_97 = %scan3A_87 to %scan3A_89 step %scan3A_90 iter_args(%scan3A_98 = %get3A_86) -> (vector<16xf32>)  : i32 {
          %mul3A_99 = arith.constant 960 : i32
          %mul3A_100 = arith.muli %scan3A_97, %mul3A_99 : i32
          %mul3A_101 = arith.constant 16 : i32
          %mul3A_102 = arith.muli %scan3A_83, %mul3A_101 : i32
          %add3A = arith.addi %mul3A_100, %mul3A_102 : i32
          %get3A_103 = arith.index_cast %add3A : i32 to index
          %get3A_104 = tpu.vector_load %arg12[%get3A_103] {strides = array<i32>} : memref<15360xf32, #tpu.memory_space<vmem>>, vector<16xf32>,
          %add3A_105 = arith.addf %scan3A_98, %get3A_104 : vector<16xf32>
          scf.yield %add3A_105 : vector<16xf32>
        }
        %scan3A_92 = arith.constant 15 : i32
        %mul3A_93 = arith.constant 16 : i32
        %mul3A_94 = arith.muli %scan3A_83, %mul3A_93 : i32
        %swap3A_95 = arith.index_cast %mul3A_94 : i32 to index
        %swap3A_96 = tpu.vector_load %arg12[%swap3A_95] {strides = array<i32>} : memref<15360xf32, #tpu.memory_space<vmem>>, vector<16xf32>,
        tpu.vector_store %arg12[%swap3A_95], %scan3A_91 {strides = array<i32>} : memref<15360xf32, #tpu.memory_space<vmem>>, vector<16xf32>,
      }
      %scan3A_68 = arith.constant 60 : i32
      %broadcast_in_dim3A_69 = arith.constant 1.000000e+00 : f32
      %broadcast_in_dim3A_70 = vector.broadcast %broadcast_in_dim3A_69 : f32 to vector<16xf32>
      %broadcast_in_dim3A_71 = arith.constant 0.000000e+00 : f32
      %broadcast_in_dim3A_72 = vector.broadcast %broadcast_in_dim3A_71 : f32 to vector<16xf32>
      %scan3A_73 = arith.constant 0 : i32
      %scan3A_74 = arith.constant 30 : i32
      %scan3A_75 = arith.addi %scan3A_73, %scan3A_74 : i32
      %scan3A_76 = arith.constant 1 : i32
      %scan3A_77:2 = scf.for %scan3A_83 = %scan3A_73 to %scan3A_75 step %scan3A_76 iter_args(%scan3A_84 = %broadcast_in_dim3A_72, %scan3A_85 = %broadcast_in_dim3A_72) -> (vector<16xf32>, vector<16xf32>)  : i32 {
        %mul3A_86 = arith.constant 16 : i32
        %mul3A_87 = arith.muli %scan3A_83, %mul3A_86 : i32
        %get3A = arith.index_cast %mul3A_87 : i32 to index
        %get3A_88 = tpu.vector_load %arg12[%get3A] {strides = array<i32>} : memref<15360xf32, #tpu.memory_space<vmem>>, vector<16xf32>,
        %reduce_sum3A = arith.constant true
        %reduce_sum3A_89 = vector.broadcast %reduce_sum3A : i1 to vector<16xi1>
        %reduce_sum3A_90 = tpu.scan <sum>, %get3A_88 masked %reduce_sum3A_89 : vector<16xf32>, vector<16xi1> -> vector<16xf32>
        %reduce_sum3A_91 = vector.extract %reduce_sum3A_90[15] : f32 from vector<16xf32>
        %add3A = arith.constant 30 : i32
        %add3A_92 = arith.addi %add3A, %scan3A_83 : i32
        %mul3A_93 = arith.constant 16 : i32
        %mul3A_94 = arith.muli %add3A_92, %mul3A_93 : i32
        %get3A_95 = arith.index_cast %mul3A_94 : i32 to index
        %get3A_96 = tpu.vector_load %arg12[%get3A_95] {strides = array<i32>} : memref<15360xf32, #tpu.memory_space<vmem>>, vector<16xf32>,
        %reduce_sum3A_97 = arith.constant true
        %reduce_sum3A_98 = vector.broadcast %reduce_sum3A_97 : i1 to vector<16xi1>
        %reduce_sum3A_99 = tpu.scan <sum>, %get3A_96 masked %reduce_sum3A_98 : vector<16xf32>, vector<16xi1> -> vector<16xf32>
        %reduce_sum3A_100 = vector.extract %reduce_sum3A_99[15] : f32 from vector<16xf32>
        %mul3A_101 = vector.broadcast %reduce_sum3A_91 : f32 to vector<16xf32>
        %mul3A_102 = arith.mulf %broadcast_in_dim3A_70, %mul3A_101 : vector<16xf32>
        %mul3A_103 = vector.broadcast %reduce_sum3A_100 : f32 to vector<16xf32>
        %mul3A_104 = arith.mulf %broadcast_in_dim3A_70, %mul3A_103 : vector<16xf32>
        %gt3A_105 = arith.constant 0.000000e+00 : f32
        %gt3A_106 = vector.broadcast %gt3A_105 : f32 to vector<16xf32>
        %gt3A_107 = arith.cmpf ogt, %mul3A_102, %gt3A_106 : vector<16xf32>
        %select_n3A_108 = arith.select %gt3A_107, %broadcast_in_dim3A_70, %broadcast_in_dim3A_72 : vector<16xi1>, vector<16xf32>
        %add3A_109 = arith.addf %scan3A_84, %select_n3A_108 : vector<16xf32>
        %max3A_110 = arith.maximumf %mul3A_102, %broadcast_in_dim3A_70 : vector<16xf32>
        %div3A_111 = arith.divf %mul3A_104, %max3A_110 : vector<16xf32>
        %select_n3A_112 = arith.select %gt3A_107, %div3A_111, %broadcast_in_dim3A_72 : vector<16xi1>, vector<16xf32>
        %add3A_113 = arith.addf %scan3A_85, %select_n3A_112 : vector<16xf32>
        scf.yield %add3A_109, %add3A_113 : vector<16xf32>, vector<16xf32>
      }
      %scan3A_78 = arith.constant 30 : i32
      %gt3A = arith.constant 0.000000e+00 : f32
      %gt3A_79 = vector.broadcast %gt3A : f32 to vector<16xf32>
      %gt3A_80 = arith.cmpf ogt, %scan3A_77#0, %gt3A_79 : vector<16xf32>
      %max3A = arith.maximumf %scan3A_77#0, %broadcast_in_dim3A_70 : vector<16xf32>
      %div3A = arith.divf %scan3A_77#1, %max3A : vector<16xf32>
      %select_n3A_81 = arith.select %gt3A_80, %div3A, %broadcast_in_dim3A_72 : vector<16xi1>, vector<16xf32>
      %swap3A = arith.constant 0 : index
      %swap3A_82 = tpu.vector_load %arg10[%swap3A] {strides = array<i32>} : memref<960xf32, #tpu.memory_space<vmem>>, vector<16xf32>,
      tpu.vector_store %arg10[%swap3A], %select_n3A_81 {strides = array<i32>} : memref<960xf32, #tpu.memory_space<vmem>>, vector<16xf32>,
      "tpu.region"() ({
        %run_scoped3A = tpu.sem_alloc : memref<!tpu.dma_semaphore, #tpu.memory_space<semaphore_mem>>
        %dma_start3A_83 = arith.constant 0 : i32
        %dma_start3A_84 = tpu.memref_slice %arg10[%dma_start3A_83] : memref<960xf32, #tpu.memory_space<vmem>> -> memref<16xf32, #tpu.memory_space<vmem>>
        %dma_start3A_85 = arith.constant 0 : i32
        %dma_start3A_86 = tpu.memref_slice %arg10[%dma_start3A_85] : memref<960xf32, #tpu.memory_space<vmem>> -> memref<16xf32, #tpu.memory_space<vmem>>
        tpu.enqueue_dma source(%dma_start3A_86 : memref<16xf32, #tpu.memory_space<vmem>>) target(%arg5 : memref<16xf32, #tpu.memory_space<hbm>>) target_semaphore(%run_scoped3A : memref<!tpu.dma_semaphore, #tpu.memory_space<semaphore_mem>>)
        %dma_wait3A_87 = arith.constant 0 : i32
        %dma_wait3A_88 = tpu.memref_slice %arg10[%dma_wait3A_87] : memref<960xf32, #tpu.memory_space<vmem>> -> memref<16xf32, #tpu.memory_space<vmem>>
        %dma_wait3A_89 = arith.constant 0 : i32
        %dma_wait3A_90 = tpu.memref_slice %arg10[%dma_wait3A_89] : memref<960xf32, #tpu.memory_space<vmem>> -> memref<16xf32, #tpu.memory_space<vmem>>
        tpu.wait_dma2 semaphore(%run_scoped3A : memref<!tpu.dma_semaphore, #tpu.memory_space<semaphore_mem>>) src(%dma_wait3A_90 : memref<16xf32, #tpu.memory_space<vmem>>) dst(%arg5 : memref<16xf32, #tpu.memory_space<hbm>>)
        tpu.yield
      }) : () -> ()
    } else {
    }
    return
  }
}

</mosaic_0001>

<sc_bundles>
// kernel: kernel.3.cloned.1.call-start
scs
__scs_entry_jumppad:
0x0: {  	(pc) =	sbr.rel $0x88, $3  }
0x1: {  	(tag) =	ssettag $0x0;
	lr =	simm.s32 $0x1  }
0x2: {  	[smem:$0x3F9E] =	sst lr;
	_ =	strace $0xD0000000  }
0x3: {  	_ = 	snop  }
0x4: {  	_ = 	snop  }
0x5: {  	_ = 	snop  }
0x6: {  	_ = 	snop  }
0x7: {  	_ = 	snop  }
__scs_overlays_trampoline_lowered:
0x8: {  	[smem:$0x3FAD] =	sst s0  }
0x9: {  	[smem:$0x3FAE] =	sst s1  }
0xa: {  	[smem:$0x3FAF] =	sst s2  }
0xb: {  	[smem:$0x3FB0] =	sst s3  }
0xc: {  	[smem:$0x3FB1] =	sst s4  }
0xd: {  	[smem:$0x3FB2] =	sst s5  }
0xe: {  	[smem:$0x3FB3] =	sst s6  }
0xf: {  	[smem:$0x3FB4] =	sst s7  }
0x10: {  	[smem:$0x3FB5] =	sst s8  }
0x11: {  	[smem:$0x3FB6] =	sst s9;
	s0 =	simm.s32 @!p0 $0x0  }
0x12: {  	s1 =	sld [smem:$0x3F9C];
	s0 =	simm.s32 @p0 $0x1  }
0x13: {  	[smem:$0x3FB7] =	sst s0;
	s0 =	simm.s32 @!p1 $0x0  }
0x14: {  	s2 =	sld [smem:$0x3F9B];
	s0 =	simm.s32 @p1 $0x1  }
0x15: {  	[smem:$0x3FB8] =	sst s0;
	s0 =	simm.s32 @!p2 $0x0  }
0x16: {  	s3 =	sld [smem:$0x3FDB];
	s0 =	simm.s32 @p2 $0x1  }
0x17: {  	s4 =	simm.s32 $0x1BF5;
	[smem:$0x3FBA] =	sst s0  }
0x18: {  	s0 =	sld [smem:$0x3F9D];
	_ =	swait.ge [sflag:s4], $0x0  }
0x19: {  	s7 =	sld [smem:$0x3F9E]  }
0x1a: {  	s8 =	sadd.s32 $0xFFFFE003, lr  }
0x1b: {  	s9 =	sadd.s32 $0xFFFFFEF7, lr;
	s5 =	simm.s32 $0xFFFFFFFF;
	p2 =	slt.u32 s8, $0xFFFFF086  }
0x1c: {  	p1 =	slt.u32 s9, $0xF7A;
	s5 =	simm.s32 @!p2 $0x0  }
0x1d: {  	s5 =	simm.s32 @p1 $0x1;
	p0 =	seq.s32 s7, s2  }
0x1e: {  	s7 =	smul.u32 @!p0 $0xF7A, s2;
	p2 =	seq.s32 @!p0 s5, $0x0  }
0x1f: {  	s9 =	smul.u32 $0xF7A, s1;
	s8 =	simm.s32 @!p0 $0x1BF5;
	p2 =	por !p2, p0  }
0x20: {  	[sflag:s8] =	ssyncset.s32 @!p0 $0xFFFFF086;
	s6 =	sadd.s32 @!p0 s3, s7;
	s7 =	simm.s32 @!p0 $0x108  }
0x21: {  	s3 =	sadd.s32 s3, s9;
	s6 =	sadd.s32 @!p0 $0x88, s6;
	s7 =	simm.s32 @p2 $0x1082  }
0x22: {  	[simem:s7], [sflag:s8] =	dma.local @!p0 [hbm:s6], $0xF7A  }
0x23: {  	s9 =	sor.u32 $0xD0000000, s2;
	s6 =	simm.s32 $0x108;
	_ =	swait.ge @!p0 [sflag:s8], $0x0  }
0x24: {  	s3 =	sadd.s32 $0x88, s3;
	s6 =	simm.s32 @!p1 $0x1082;
	[sflag:s4] =	ssyncset.s32 $0xFFFFF086  }
0x25: {  	[simem:s6], [sflag:s4] =	dma.local [hbm:s3], $0xF7A  }
0x26: {  	[smem:$0x3F9E] =	sst s1;
	(tag) =	ssettag s2;
	_ =	strace s9  }
0x27: {  	s1 =	sld [smem:$0x3FAE]  }
0x28: {  	s2 =	sld [smem:$0x3FAF]  }
0x29: {  	s4 =	sld [smem:$0x3FB1]  }
0x2a: {  	p0 =	seq.s32 s5, $0x0;
	s5 =	sld [smem:$0x3FB2]  }
0x2b: {  	s6 =	sld [smem:$0x3FB3]  }
0x2c: {  	s7 =	sld [smem:$0x3FB4]  }
0x2d: {  	s3 =	simm.s32 $0x108;
	s8 =	sld [smem:$0x3FB5]  }
0x2e: {  	s3 =	simm.s32 @!p0 $0x1082;
	s9 =	sld [smem:$0x3FB6]  }
0x2f: {  	lr =	sadd.s32 s0, s3;
	s0 =	sld [smem:$0x3FAD]  }
0x30: {  	s3 =	sld [smem:$0x3FB0]  }
0x31: {  	[smem:$0x3FB9] =	sst s10  }
0x32: {  	s10 =	sld [smem:$0x3FB7];
	_ =	sdelay $0x3  }
0x33: {  	p0 =	seq.s32 s10, $0x1;
	s10 =	sld [smem:$0x3FB9];
	_ =	sdelay $0x3  }
0x34: {  	[smem:$0x3FB9] =	sst s10  }
0x35: {  	s10 =	sld [smem:$0x3FB8];
	_ =	sdelay $0x3  }
0x36: {  	p1 =	seq.s32 s10, $0x1;
	s10 =	sld [smem:$0x3FB9];
	_ =	sdelay $0x3  }
0x37: {  	[smem:$0x3FB9] =	sst s10  }
0x38: {  	s10 =	sld [smem:$0x3FBA]  }
0x39: {  	_ = 	snop;
	(pc) =	sbr.ind lr, $3  }
0x3a: {  	_ = 	snop  }
0x3b: {  	_ = 	snop  }
0x3c: {  	p2 =	seq.s32 s10, $0x1;
	s10 =	sld [smem:$0x3FB9]  }
0x3d: {  	_ =	shalt  }
0x3e: {  	_ =	shalt  }
0x3f: {  	_ =	shalt  }
0x40: {  	_ =	shalt  }
0x41: {  	_ =	shalt  }
0x42: {  	_ =	shalt  }
0x43: {  	_ =	shalt  }
0x44: {  	_ =	shalt  }
0x45: {  	_ =	shalt  }
0x46: {  	_ =	shalt  }
0x47: {  	_ =	shalt  }
0x48: {  	_ =	shalt  }
0x49: {  	_ =	shalt  }
0x4a: {  	_ =	shalt  }
0x4b: {  	_ =	shalt  }
0x4c: {  	_ =	shalt  }
0x4d: {  	_ =	shalt  }
0x4e: {  	_ =	shalt  }
0x4f: {  	_ =	shalt  }
0x50: {  	_ =	shalt  }
0x51: {  	_ =	shalt  }
0x52: {  	_ =	shalt  }
0x53: {  	_ =	shalt  }
0x54: {  	_ =	shalt  }
0x55: {  	_ =	shalt  }
0x56: {  	_ =	shalt  }
0x57: {  	_ =	shalt  }
0x58: {  	_ =	shalt  }
0x59: {  	_ =	shalt  }
0x5a: {  	_ =	shalt  }
0x5b: {  	_ =	shalt  }
0x5c: {  	_ =	shalt  }
0x5d: {  	_ =	shalt  }
0x5e: {  	_ =	shalt  }
0x5f: {  	_ =	shalt  }
0x60: {  	_ =	shalt  }
0x61: {  	_ =	shalt  }
0x62: {  	_ =	shalt  }
0x63: {  	_ =	shalt  }
0x64: {  	_ =	shalt  }
0x65: {  	_ =	shalt  }
0x66: {  	_ =	shalt  }
0x67: {  	_ =	shalt  }
0x68: {  	_ =	shalt  }
0x69: {  	_ =	shalt  }
0x6a: {  	_ =	shalt  }
0x6b: {  	_ =	shalt  }
0x6c: {  	_ =	shalt  }
0x6d: {  	_ =	shalt  }
0x6e: {  	_ =	shalt  }
0x6f: {  	_ =	shalt  }
0x70: {  	_ =	shalt  }
0x71: {  	_ =	shalt  }
0x72: {  	_ =	shalt  }
0x73: {  	_ =	shalt  }
0x74: {  	_ =	shalt  }
0x75: {  	_ =	shalt  }
0x76: {  	_ =	shalt  }
0x77: {  	_ =	shalt  }
0x78: {  	_ =	shalt  }
0x79: {  	_ =	shalt  }
0x7a: {  	_ =	shalt  }
0x7b: {  	_ =	shalt  }
0x7c: {  	_ =	shalt  }
0x7d: {  	_ =	shalt  }
0x7e: {  	_ =	shalt  }
0x7f: {  	_ =	shalt  }
0x80: {  	_ =	shalt  }
0x81: {  	_ =	shalt  }
0x82: {  	_ =	shalt  }
0x83: {  	_ =	shalt  }
0x84: {  	_ =	shalt  }
0x85: {  	_ =	shalt  }
0x86: {  	_ =	shalt  }
0x87: {  	_ =	shalt  }
.Lfunc_end0:
.L_simem_size_0:
called_computation_lowered:
.L_overlay_start_0:
0x88: {  	s0 =	sld [smem:$0x3FD9]  }
0x89: {  	s1 =	sld [smem:$0x3FFE];
	_ =	sdelay $0x3  }
0x8a: {  	s0 =	sadd.s32 s1, s0  }
0x8b: {  	[smem:$0x3FC5] =	sst s0  }
0x8c: {  	_ = 	snop  }
0x8d: {  	s0 =	sld [smem:$0x3FD0];
	(tm) =	ssettm $0x1  }
0x8e: {  	s16 =	sld [smem:$0x3FFB];
	_ =	sdelay $0x3  }
0x8f: {  	_ =	strace s16  }
0x90: {  	s1 =	sld [smem:$0x3FFC];
	_ =	sdelay $0x3  }
0x91: {  	_ =	strace s1  }
0x92: {  	s1 =	sld [smem:$0x3FFD];
	_ =	sdelay $0x3  }
0x93: {  	_ =	strace s1  }
0x94: {  	_ =	strace $0x8FFFFFFF  }
0x95: {  	s17 =	sld [smem:$0x3FDB];
	_ =	sdelay $0x1  }
0x96: {  	s2 =	simm.s32 $_scs_section_size  }
0x97: {  	s3 =	simm.s32 $_size__tile_overlayer_lowered;
	s4 =	simm.s32 $_tile_overlayer_lowered  }
0x98: {  	s20 =	simm.s32 $0x1BFF;
	s19 =	sshll.u32 s4, $0x1;
	s1 =	sadd.s32 s2, s17  }
0x99: {  	s5 =	simm.s32 $0x0;
	s18 =	sshll.u32 s3, $0x1;
	s3 =	sadd.s32 s19, s1  }
0x9a: {  	[timem:s5], [sflag:s20] =	dma.local [hbm:s3], s18  }
0x9b: {  	_ =	swait.ge [sflag:s20], s18  }
0x9c: {  	s2 =	ssub.s32 $0x0, s18;
	[sflag:s20] =	ssyncset.done $0x0  }
0x9d: {  	[sflag:s20] =	ssyncadd.s32 s2;
	_ =	sdelay $0x1  }
0x9e: {  	s21 =	simm.s32 $0x1B8B  }
0x9f: {  	_ =	swait.ge [sflag:s21], $0x1  }
0xa0: {  	[sflag:s21] =	ssyncset.done $0x0  }
0xa1: {  	s23 =	simm.s32 $0x1B8E;
	s22 =	sld [smem:$0x3FFE];
	[sflag:s21] =	ssyncadd.s32 $0xFFFFFFFF  }
0xa2: {  	s24 =	simm.s32 $execute0_lowered;
	[smem:$0x3FD2] =	sst s23  }
0xa3: {  	s3 =	sshll.u32 s24, $0x1;
	_ =	strace $0x80000046;
	[dreg:$0x1] =	wrdreg $0xFFFFFFFF  }
0xa4: {  	s25 =	simm.s32 $_size_execute0_lowered;
	s1 =	sadd.s32 s1, s3;
	[dreg:$0x0] =	wrdreg $0x0  }
0xa5: {  	s3 =	sshll.u32 s25, $0x1;
	[dreg:$0x2] =	wrdreg s1  }
0xa6: {  	[dreg:$0x3] =	wrdreg s3  }
0xa7: {  	[dreg:$0x4] =	wrdreg $0xC0  }
0xa8: {  	_ =	task [dreg:s5], $0x5FFFF  }
0xa9: {  	[dreg:$0x1] =	wrdreg $0xFFFFFFFF  }
0xaa: {  	[dreg:$0x0] =	wrdreg $0x60  }
0xab: {  	[dreg:$0x2] =	wrdreg s22  }
0xac: {  	[dreg:$0x3] =	wrdreg s0  }
0xad: {  	[dreg:$0x4] =	wrdreg $0x139000  }
0xae: {  	[dreg:$0x5] =	wrdreg $0x9  }
0xaf: {  	_ =	task.clear_ibuf [dreg:s5], $0x6FFFF;
	_ =	strace $0x90000046  }
0xb0: {  	s26 =	simm.s32 $0x9;
	_ =	strace $0x80000048  }
0xb1: {  	_ =	swait.ge [sflag:s26], $0x1  }
0xb2: {  	[sflag:s26] =	ssyncadd.s32 $0xFFFFFFFF  }
0xb3: {  	_ =	strace $0x90000048  }
0xb4: {  	_ =	sfence  }
0xb5: {  	s28 =	sld [smem:$0x0];
	_ =	sdelay $0x1  }
0xb6: {  	s29 =	srdreg.scid  }
0xb7: {  	s30 =	sshll.u32 s29, $0xD;
	s31 =	sshrl.u32 s29, $0x2  }
0xb8: {  	s2 =	sand.u32 $0x4000, s30;
	s1 =	sand.u32 $0x1, s29;
	s0 =	sadd.s32 s31, s28  }
0xb9: {  	s1 =	sor.u32 s2, s1;
	s0 =	sshll.u32 s0, $0x11  }
0xba: {  	s0 =	sor.u32 s0, s1  }
0xbb: {  	s0 =	sadd.s32 $0x8F2B, s0  }
0xbc: {  	[sflag:s0] =	ssyncadd.remote.s32 $0x1  }
0xbd: {  	_ =	sfence.sel $0xFFFF  }
0xbe: {  	[dreg:$0x0] =	wrdreg $0xFFFFFFFF;
	(pc) =	sbr.abs _section_cstart, $3  }
0xbf: {  	[dreg:$0x1] =	wrdreg $0xFFFFFFFF  }
0xc0: {  	_ =	task.clear_ibuf [dreg:s5], $0x2FFFF;
	_ =	strace $0x9FFFFFFF  }
0xc1: {  	(tm) =	ssettm $0x7FFFFFFF  }
tec
execute0_lowered:
.L_overlay_start_1:
0x0: {  	(tag) =	ssettag $0x1  }
0x1: {  	s4 =	rddreg [dreg:$0x0]  }
0x2: {  	s1 =	rddreg [dreg:$0x1];
	s3 =	stileid.u32  }
0x3: {  	s2 =	rddreg [dreg:$0x2];
	s6 =	smul.u32 $0x6200, s3  }
0x4: {  	s0 =	rddreg [dreg:$0x3];
	s8 =	simm.s32 $0x0  }
0x5: {  	[smem:$0x7FF] =	sst s8;
	s7 =	sadd.s32 $0x800, s4;
	s9 =	sshrl.u32 s6, $0x3  }
0x6: {  	s5 =	sadd.s32 $0xCC00, s4;
	_ =	strace $0x80000047;
	s10 =	sadd.s32 s7, s9  }
0x7: {  	[tilespmem:s8], [sflag:$0x1] =	stream.linear.gather [hbm4b:s10+s8], $0x5C80, $0x38;
	[tilespmem:$0x178C0] =	vst v63  }
0x8: {  	s11 =	simm.s32 $0x6200;
	s4 =	sadd.s32 $0x19000, s4;
	s30 =	sadd.s32 s5, s9  }
0x9: {  	[tilespmem:s11], [sflag:$0x1] =	stream.linear.gather [hbm4b:s30+s8], $0x5C80, $0x38;
	[tilespmem:$0x178C0] =	vst v63  }
0xa: {  	s31 =	simm.s32 $0xC400;
	s9 =	sadd.s32 s4, s9  }
0xb: {  	[tilespmem:s31], [sflag:$0x1] =	stream.linear.gather [hbm4b:s9+s8], $0x5C80, $0x38;
	[tilespmem:$0x178C0] =	vst v63  }
0xc: {  	v0 =	vimm.f32 $0.0e+00;
	s8 =	simm.s32 $0x40;
	s9 =	simm.s32 $0x0  }
.LBB2_1:
0xd: {  	p0 =	sne.s32 s8, $0x3BC0;
	[tilespmem:s9+$0x12600] =	vst v0;
	s9 =	smov.u32 s8;
	s8 =	sadd.s32 $0x40, s8  }
.Ltmp0:
0xe: {  	(pc) =	sbr.rel @p0 .LBB2_1-.Ltmp0, $2  }
0xf: {  	_ =	sdelay $0x2  }
0x10: {  	s9 =	sshra.s32 s9, $0x2  }
0x11: {  	p0 =	seq.s32 s3, $0xF  }
0x12: {  	s6 =	sshrl.u32 @!p0 s6, $0x3  }
0x13: {  	s6 =	sadd.s32 @!p0 $0xB90, s6  }
0x14: {  	[tilespmem:s9+$0x12600] =	vst v0;
	s8 =	simm.s32 @!p0 $0x0;
	s9 =	simm.s32 @!p0 $0x5C80;
	s7 =	sadd.s32 @!p0 s7, s6  }
0x15: {  	[tilespmem:s9], [sflag:$0x2] =	stream.linear.gather @!p0 [hbm4b:s7+s8], $0x580, $0x38;
	[tilespmem:$0x178C0] =	vst v63  }
0x16: {  	s7 =	simm.s32 @!p0 $0x2  }
0x17: {  	_ =	swait.ge @!p0 [sflag:s7], $0x580  }
0x18: {  	[sflag:s7] =	ssyncset.done @!p0 $0x0  }
0x19: {  	s5 =	sadd.s32 @!p0 s5, s6;
	s9 =	simm.s32 @!p0 $0xBE80;
	[sflag:s7] =	ssyncadd.s32 @!p0 $0xFFFFFA80  }
0x1a: {  	[tilespmem:s9], [sflag:$0x2] =	stream.linear.gather @!p0 [hbm4b:s5+s8], $0x580, $0x38;
	[tilespmem:$0x178C0] =	vst v63  }
0x1b: {  	_ =	swait.ge @!p0 [sflag:s7], $0x580  }
0x1c: {  	[sflag:s7] =	ssyncset.done @!p0 $0x0  }
0x1d: {  	s4 =	sadd.s32 @!p0 s4, s6;
	s5 =	simm.s32 @!p0 $0x12080;
	[sflag:s7] =	ssyncadd.s32 @!p0 $0xFFFFFA80  }
0x1e: {  	[tilespmem:s5], [sflag:$0x2] =	stream.linear.gather @!p0 [hbm4b:s4+s8], $0x580, $0x38;
	[tilespmem:$0x178C0] =	vst v63  }
0x1f: {  	_ =	swait.ge @!p0 [sflag:s7], $0x580  }
0x20: {  	[sflag:s7] =	ssyncset.done @!p0 $0x0  }
0x21: {  	s28 =	simm.s32 $0x1;
	[sflag:s7] =	ssyncadd.s32 @!p0 $0xFFFFFA80  }
0x22: {  	_ =	swait.ge [sflag:s28], $0x5C80  }
0x23: {  	[sflag:s28] =	ssyncset.done $0x0  }
0x24: {  	[sflag:s28] =	ssyncadd.s32 $0xFFFFA380  }
0x25: {  	_ =	swait.ge [sflag:s28], $0x5C80  }
0x26: {  	[sflag:s28] =	ssyncset.done $0x0  }
0x27: {  	[sflag:s28] =	ssyncadd.s32 $0xFFFFA380  }
0x28: {  	_ =	swait.ge [sflag:s28], $0x5C80  }
0x29: {  	[sflag:s28] =	ssyncset.done $0x0  }
0x2a: {  	s31 =	simm.s32 $0x20;
	[sflag:s28] =	ssyncadd.s32 $0xFFFFA380  }
0x2b: {  	s30 =	simm.s32 $0x6220;
	v9 =	vld [tilespmem:s31+$0x10]  }
0x2c: {  	v10 =	vld [tilespmem:s30+$0x10]  }
0x2d: {  	v11 =	vld [tilespmem:s30+$0xFFFFFFE0]  }
0x2e: {  	v12 =	vld [tilespmem:s31+$0xFFFFFFF0]  }
0x2f: {  	v13 =	vld [tilespmem:s30+$0xFFFFFFF0]  }
0x30: {  	v14 =	vld [tilespmem:s31+$0x0]  }
0x31: {  	v15 =	vld [tilespmem:s30+$0x0];
	v9 =	vsub.f32 v9, v10  }
0x32: {  	v16 =	vld [tilespmem:s31+$0xFFFFFFE0]  }
0x33: {  	v10 =	vmul.f32 v9, v9  }
0x34: {  	v12 =	vsub.f32 v12, v13  }
0x35: {  	v10 =	vadd.f32 $3.999999900e-04, v10  }
0x36: {  	v14 =	vsub.f32 v14, v15;
	v13 =	vmul.f32 v12, v12  }
0x37: {  	v15 =	vsub.f32 v16, v11;
	v16 =	vmul.f32 $5.000000000e-01, v10;
	v11 =	vshrl.u32 v10, $0x1  }
0x38: {  	v17 =	vadd.f32 $3.999999900e-04, v13;
	v13 =	vmul.f32 v14, v14;
	v18 =	vsub.s32 $0x5F3759DF, v11  }
0x39: {  	v19 =	vmul.f32 v15, v15;
	v20 =	vmul.f32 v18, v16  }
0x3a: {  	v21 =	vmul.f32 $5.000000000e-01, v17;
	v22 =	vshrl.u32 v17, $0x1;
	v11 =	vadd.f32 $3.999999900e-04, v13  }
0x3b: {  	v13 =	vadd.f32 $3.999999900e-04, v19;
	v19 =	vsub.s32 $0x5F3759DF, v22;
	v20 =	vmul.f32 v18, v20  }
0x3c: {  	v22 =	vmul.f32 v19, v21;
	v23 =	vmul.f32 $5.000000000e-01, v11  }
0x3d: {  	v24 =	vmul.f32 $5.000000000e-01, v13;
	v25 =	vshrl.u32 v13, $0x1;
	v20 =	vsub.f32 $1.500000000e+00, v20  }
0x3e: {  	v26 =	vshrl.u32 v11, $0x1;
	v25 =	vsub.s32 $0x5F3759DF, v25;
	v22 =	vmul.f32 v19, v22  }
0x3f: {  	v26 =	vsub.s32 $0x5F3759DF, v26;
	v27 =	vmul.f32 v25, v24;
	v18 =	vmul.f32 v18, v20  }
0x40: {  	v4 =	vlaneseq.u32;
	v20 =	vsub.f32 $1.500000000e+00, v22;
	v22 =	vmul.f32 v26, v23  }
0x41: {  	v0 =	vimm.f32 $1.000000000e+00;
	v27 =	vmul.f32 v25, v27;
	v16 =	vmul.f32 v18, v16  }
0x42: {  	v6 =	vor.u32 $0x1E0, v4;
	v19 =	vmul.f32 v19, v20;
	v20 =	vmul.f32 v26, v22  }
0x43: {  	v5 =	vor.u32 $0x3C0, v4;
	v22 =	vsub.f32 $1.500000000e+00, v27;
	v16 =	vmul.f32 v16, v18  }
0x44: {  	v2 =	vor.u32 $0x5A0, v4;
	v21 =	vmul.f32 v19, v21;
	v20 =	vsub.f32 $1.500000000e+00, v20  }
0x45: {  	v1 =	vor.u32 $0x780, v4;
	v22 =	vmul.f32 v25, v22;
	v16 =	vsub.f32 $1.500000000e+00, v16  }
0x46: {  	v3 =	vor.u32 $0x960, v4;
	v25 =	vmul.f32 v21, v19;
	v20 =	vmul.f32 v26, v20  }
0x47: {  	v8 =	vor.u32 $0xB40, v4;
	s7 =	simm.s32 @!p0 $0x620;
	v24 =	vmul.f32 v22, v24;
	v21 =	vmul.f32 v16, v18  }
0x48: {  	s7 =	simm.s32 @p0 $0x5C8;
	v9 =	vand.u32 $0x7FFFFFFF, v9;
	v16 =	vsub.f32 $1.500000000e+00, v25;
	v18 =	vmul.f32 v20, v23  }
0x49: {  	v7 =	vor.u32 $0xD20, v4;
	p1 =	sgt.u32 s7, $0x4;
	v23 =	vmul.f32 v24, v22;
	v9 =	vmul.f32 v21, v9  }
.Ltmp1:
0x4a: {  	v12 =	vand.u32 $0x7FFFFFFF, v12;
	v16 =	vmul.f32 v16, v19;
	v19 =	vmul.f32 v18, v20;
	(pc) =	sbr.rel @!p1 .LBB2_3-.Ltmp1, $4  }
0x4b: {  	s29 =	smul.u32 $0xF00, s3;
	v18 =	vand.u32 $0x7FFFFFFF, v15;
	v15 =	vsub.f32 $1.500000000e+00, v23;
	v9 =	vmul.f32 $3.000000000e+01, v9  }
0x4c: {  	s6 =	simm.s32 $0xC420;
	v17 =	vmul.f32 v16, v17;
	v30 =	vmul.f32 v16, v12;
	v16 =	vsub.f32 $1.500000000e+00, v19  }
0x4d: {  	s9 =	simm.s32 $0x60;
	s4 =	sshrl.u32 s29, $0x2;
	v29 =	vld [tilespmem:s6+$0x10];
	v24 =	vand.u32 $0x7FFFFFFF, v14;
	v27 =	vmul.f32 v15, v22;
	v14 =	vtrunc.f32 v9  }
0x4e: {  	s5 =	simm.s32 $0x12600;
	s4 =	sadd.s32 s4, s2;
	p0 =	por $0x0, $0x0;
	v12 =	vld [tilespmem:s6+$0xFFFFFFE0];
	v9 =	vadd.f32 $-1.999999960e-02, v17;
	v26 =	vmul.f32 v16, v20;
	v31 =	vcvt.f32.s32 v14  }
0x4f: {  	v14 =	vld [tilespmem:s9+$0x10]  }
0x50: {  	s8 =	simm.s32 $0x6260;
	v16 =	vmul.f32 v27, v18;
	v18 =	vld [tilespmem:s9+$0xFFFFFFF0]  }
0x51: {  	v17 =	vmul.f32 $3.000000000e+01, v30;
	v19 =	vmul.f32 v27, v13;
	v15 =	vld [tilespmem:s8+$0x10]  }
0x52: {  	v10 =	vmul.f32 v21, v10;
	v13 =	vmul.f32 v26, v24;
	v20 =	vld [tilespmem:s8+$0xFFFFFFF0]  }
0x53: {  	vm0 =	vlt.s32 v31, $0x1D;
	v24 =	vld [tilespmem:s9+$0x0];
	v16 =	vmul.f32 $3.000000000e+01, v16;
	v17 =	vtrunc.f32 v17  }
0x54: {  	v27 =	vld [tilespmem:s8+$0x0];
	v22 =	vnsel vm0, $0x1D, v31;
	v13 =	vmul.f32 $3.000000000e+01, v13;
	vm1 =	vgt.f32 v29, $0.0e+00  }
0x55: {  	v22 =	vshll.u32 v22, $0x4;
	v17 =	vcvt.f32.s32 v17;
	v16 =	vtrunc.f32 v16  }
0x56: {  	v25 =	vadd.s32 v8, v22;
	v29 =	vadd.s32 v7, v22;
	v16 =	vcvt.f32.s32 v16  }
0x57: {  	v23 =	vld [tilespmem:s8+$0xFFFFFFE0];
	v13 =	vtrunc.f32 v13;
	vm2 =	vlt.s32 v17, $0x1D;
	v28 =	vsub.f32 v14, v15  }
0x58: {  	v13 =	vcvt.f32.s32 v13;
	v14 =	vld [tilespmem:s9+$0xFFFFFFE0];
	v15 =	vsub.f32 v18, v20;
	v20 =	vmul.f32 v26, v11  }
0x59: {  	v26 =	vadd.f32 $-1.999999960e-02, v10;
	v21 =	vsub.f32 v24, v27;
	v18 =	vmul.f32 v28, v28  }
0x5a: {  	v17 =	vnsel vm2, $0x1D, v17;
	vm0 =	vlt.s32 v16, $0x1D;
	v11 =	vmul.f32 v15, v15  }
0x5b: {  	v17 =	vshll.u32 v17, $0x4;
	vm3 =	vlt.s32 v13, $0x1D;
	v10 =	vadd.f32 $3.999999900e-04, v18  }
0x5c: {  	v16 =	vnsel vm0, $0x1D, v16;
	v24 =	vmul.f32 v21, v21;
	v27 =	vadd.f32 $3.999999900e-04, v11  }
0x5d: {  	v14 =	vsub.f32 v14, v23;
	v22 =	vmul.f32 $5.000000000e-01, v10;
	v11 =	vshrl.u32 v10, $0x1  }
0x5e: {  	v56 =	vand.u32 $0x7FFFFFFF, v15;
	v28 =	vand.u32 $0x7FFFFFFF, v28;
	v18 =	vsub.s32 $0x5F3759DF, v11  }
0x5f: {  	v11 =	vshrl.u32 v27, $0x1;
	v32 =	vmul.f32 v14, v14;
	v30 =	vmul.f32 v18, v22  }
0x60: {  	v23 =	vmul.f32 $5.000000000e-01, v27;
	v31 =	vsub.s32 $0x5F3759DF, v11;
	v11 =	vadd.f32 $3.999999900e-04, v24  }
0x61: {  	v24 =	vmul.f32 v18, v30;
	v30 =	vnsel vm3, $0x1D, v13;
	v13 =	vadd.f32 $3.999999900e-04, v32  }
0x62: {  	vm0 =	vgt.f32 v12, $0.0e+00;
	v33 =	vmul.f32 v31, v23;
	v34 =	vmul.f32 $5.000000000e-01, v11  }
0x63: {  	v15 =	vsub.f32 $1.500000000e+00, v24;
	v35 =	vmul.f32 $5.000000000e-01, v13;
	v24 =	vshrl.u32 v13, $0x1  }
0x64: {  	v36 =	vshrl.u32 v11, $0x1;
	v55 =	vmul.f32 v31, v33;
	v37 =	vsub.s32 $0x5F3759DF, v24  }
0x65: {  	v36 =	vsub.s32 $0x5F3759DF, v36;
	v38 =	vmul.f32 v18, v15;
	v15 =	vmul.f32 v37, v35  }
0x66: {  	v32 =	vsub.f32 $1.500000000e+00, v55;
	v18 =	vand.u32 $0x7FFFFFFF, v14;
	v14 =	vmul.f32 v36, v34  }
0x67: {  	v60 =	vld [tilespmem:s6+$0xFFFFFFF0];
	v24 =	vand.u32 $0x7FFFFFFF, v21;
	v22 =	vmul.f32 v38, v22;
	v21 =	vmul.f32 v37, v15  }
0x68: {  	v16 =	vshll.u32 v16, $0x4;
	v31 =	vmul.f32 v31, v32;
	v57 =	vmul.f32 v36, v14  }
0x69: {  	v15 =	vadd.f32 $-1.999999960e-02, v19;
	v19 =	vmul.f32 v22, v38;
	v21 =	vsub.f32 $1.500000000e+00, v21  }
0x6a: {  	v14 =	vadd.f32 $-1.999999960e-02, v20;
	v20 =	vmul.f32 v31, v23;
	v22 =	vsub.f32 $1.500000000e+00, v57  }
0x6b: {  	[tilespmem:v25+s5+$0x0] =	vst.idx.add.f32.msk vm1, v0;
	v23 =	vshll.u32 v30, $0x4;
	v30 =	vsub.f32 $1.500000000e+00, v19;
	v58 =	vmul.f32 v37, v21  }
0x6c: {  	[tilespmem:v29+s5+$0x0] =	vst.idx.add.f32.msk vm1, v26;
	vm1 =	vgt.f32 v60, $0.0e+00;
	v59 =	vmul.f32 v20, v31;
	v36 =	vmul.f32 v36, v22  }
0x6d: {  	v20 =	vadd.s32 v5, v17;
	v21 =	vmul.f32 v30, v38;
	v22 =	vmul.f32 v58, v35  }
0x6e: {  	v17 =	vadd.s32 v2, v17;
	v25 =	vsub.f32 $1.500000000e+00, v59;
	v30 =	vmul.f32 v36, v34  }
0x6f: {  	p1 =	sgt.u32 s7, $0x8;
	v19 =	vor.u32 v4, v16;
	v61 =	vmul.f32 v22, v58;
	v28 =	vmul.f32 v21, v28  }
.Ltmp2:
0x70: {  	v16 =	vadd.s32 v6, v16;
	v31 =	vmul.f32 v25, v31;
	v25 =	vld [tilespmem:s6+$0x0];
	v62 =	vmul.f32 v30, v36;
	(pc) =	sbr.rel @!p1 .LBB2_5-.Ltmp2, $4  }
0x71: {  	v22 =	vadd.s32 v1, v23;
	v34 =	vsub.f32 $1.500000000e+00, v61;
	v28 =	vmul.f32 $3.000000000e+01, v28  }
0x72: {  	s6 =	simm.s32 $0xC460;
	v26 =	vmul.f32 v31, v27;
	v30 =	vmul.f32 v31, v56;
	v31 =	vsub.f32 $1.500000000e+00, v62  }
0x73: {  	v23 =	vadd.s32 v3, v23;
	v29 =	vld [tilespmem:s6+$0x10];
	v27 =	vmul.f32 v34, v58;
	v63 =	vtrunc.f32 v28  }
0x74: {  	s10 =	simm.s32 $0xA0;
	p0 =	por $0x1, $0x1;
	s9 =	simm.s32 $0x8;
	v12 =	vld [tilespmem:s6+$0xFFFFFFE0];
	v28 =	vadd.f32 $-1.999999960e-02, v26;
	v26 =	vmul.f32 v31, v36;
	v31 =	vcvt.f32.s32 v63  }
.LBB2_6:
0x75: {  	v32 =	vld [tilespmem:s10+$0x10];
	v18 =	vmul.f32 v27, v18;
	v30 =	vmul.f32 $3.000000000e+01, v30;
	s8 =	sadd.s32 $0x40, s8;
	vm2 =	vgt.f32 v25, $0.0e+00  }
0x76: {  	v27 =	vmul.f32 v27, v13;
	v25 =	vld [tilespmem:s8+$0x10];
	v13 =	vmul.f32 v26, v24;
	vm3 =	vlt.s32 v31, $0x1D  }
0x77: {  	s9 =	sadd.s32 $0x4, s9;
	v24 =	vld [tilespmem:s8+$0xFFFFFFE0];
	v18 =	vmul.f32 $3.000000000e+01, v18;
	v30 =	vtrunc.f32 v30;
	v31 =	vnsel vm3, $0x1D, v31  }
0x78: {  	p1 =	slt.u32 s9, s7;
	v33 =	vld [tilespmem:s10+$0xFFFFFFF0];
	v13 =	vmul.f32 $3.000000000e+01, v13;
	vm3 =	vgt.f32 v29, $0.0e+00;
	v29 =	vshll.u32 v31, $0x4  }
0x79: {  	v30 =	vcvt.f32.s32 v30;
	v31 =	vld [tilespmem:s8+$0xFFFFFFF0];
	v18 =	vtrunc.f32 v18;
	v34 =	vadd.s32 v8, v29  }
0x7a: {  	v29 =	vadd.s32 v7, v29;
	v35 =	vld [tilespmem:s10+$0x0];
	v18 =	vcvt.f32.s32 v18;
	v13 =	vtrunc.f32 v13  }
0x7b: {  	v10 =	vmul.f32 v21, v10;
	v36 =	vld [tilespmem:s8+$0x0];
	v32 =	vsub.f32 v32, v25;
	v13 =	vcvt.f32.s32 v13  }
0x7c: {  	v26 =	vmul.f32 v26, v11;
	vm5 =	vlt.s32 v30, $0x1D;
	v21 =	vld [tilespmem:s10+$0xFFFFFFE0];
	vm4 =	vlt.s32 v18, $0x1D  }
0x7d: {  	v25 =	vadd.f32 $-1.999999960e-02, v10;
	v11 =	vmul.f32 v32, v32;
	v37 =	vld [tilespmem:s6+$0xFFFFFFF0];
	vm6 =	vlt.s32 v13, $0x1D  }
0x7e: {  	v30 =	vnsel vm5, $0x1D, v30;
	v18 =	vnsel vm4, $0x1D, v18;
	v31 =	vsub.f32 v33, v31;
	[tilespmem:v34+s5+$0x0] =	vst.idx.add.f32.msk vm3, v0  }
0x7f: {  	v33 =	vshll.u32 v18, $0x4;
	v34 =	vnsel vm6, $0x1D, v13;
	v10 =	vadd.f32 $3.999999900e-04, v11;
	[tilespmem:v29+s5+$0x0] =	vst.idx.add.f32.msk vm3, v25  }
0x80: {  	v11 =	vmul.f32 v31, v31;
	v29 =	vand.u32 $0x7FFFFFFF, v31;
	v31 =	vsub.f32 v35, v36;
	v25 =	vld [tilespmem:s6+$0x0]  }
0x81: {  	v13 =	vsub.f32 v21, v24;
	v21 =	vmul.f32 $5.000000000e-01, v10;
	v18 =	vshrl.u32 v10, $0x1;
	[tilespmem:v19+s5+$0x0] =	vst.idx.add.f32.msk vm0, v0  }
0x82: {  	v35 =	vadd.f32 $3.999999900e-04, v11;
	v11 =	vmul.f32 v31, v31;
	v19 =	vsub.s32 $0x5F3759DF, v18;
	[tilespmem:v16+s5+$0x0] =	vst.idx.add.f32.msk vm0, v15  }
0x83: {  	v15 =	vmul.f32 v13, v13;
	v18 =	vand.u32 $0x7FFFFFFF, v13;
	v16 =	vmul.f32 v19, v21;
	[tilespmem:v20+s5+$0x0] =	vst.idx.add.f32.msk vm1, v0  }
0x84: {  	v20 =	vmul.f32 $5.000000000e-01, v35;
	v24 =	vshrl.u32 v35, $0x1;
	v11 =	vadd.f32 $3.999999900e-04, v11;
	[tilespmem:v17+s5+$0x0] =	vst.idx.add.f32.msk vm1, v9;
	v9 =	vmovc v28  }
0x85: {  	v13 =	vadd.f32 $3.999999900e-04, v15;
	v15 =	vsub.s32 $0x5F3759DF, v24;
	v16 =	vmul.f32 v19, v16;
	[tilespmem:v22+s5+$0x0] =	vst.idx.add.f32.msk vm2, v0  }
0x86: {  	v17 =	vmul.f32 v15, v20;
	v22 =	vmul.f32 $5.000000000e-01, v11;
	v24 =	vshrl.u32 v11, $0x1;
	[tilespmem:v23+s5+$0x0] =	vst.idx.add.f32.msk vm2, v14  }
0x87: {  	v23 =	vmul.f32 $5.000000000e-01, v13;
	v14 =	vshrl.u32 v13, $0x1;
	v16 =	vsub.f32 $1.500000000e+00, v16  }
0x88: {  	v28 =	vsub.s32 $0x5F3759DF, v14;
	v14 =	vmul.f32 v15, v17;
	v17 =	vsub.s32 $0x5F3759DF, v24  }
0x89: {  	v24 =	vand.u32 $0x7FFFFFFF, v31;
	v36 =	vmul.f32 v28, v23;
	v31 =	vmul.f32 v19, v16  }
0x8a: {  	v30 =	vshll.u32 v30, $0x4;
	v16 =	vmul.f32 v17, v22;
	v14 =	vsub.f32 $1.500000000e+00, v14  }
0x8b: {  	v34 =	vshll.u32 v34, $0x4;
	v19 =	vmul.f32 v28, v36;
	v21 =	vmul.f32 v31, v21  }
0x8c: {  	v16 =	vmul.f32 v17, v16;
	v36 =	vmul.f32 v15, v14;
	v15 =	vadd.f32 $-1.999999960e-02, v27  }
0x8d: {  	v14 =	vadd.f32 $-1.999999960e-02, v26;
	v27 =	vsub.f32 $1.500000000e+00, v19;
	v21 =	vmul.f32 v21, v31  }
0x8e: {  	v26 =	vsub.f32 $1.500000000e+00, v16;
	v19 =	vor.u32 v4, v33;
	v20 =	vmul.f32 v36, v20  }
0x8f: {  	v16 =	vadd.s32 v6, v33;
	v27 =	vmul.f32 v28, v27;
	v21 =	vsub.f32 $1.500000000e+00, v21  }
0x90: {  	v26 =	vmul.f32 v17, v26;
	v28 =	vmul.f32 v20, v36;
	v20 =	vadd.s32 v5, v30  }
0x91: {  	v17 =	vadd.s32 v2, v30;
	v23 =	vmul.f32 v27, v23;
	v21 =	vmul.f32 v21, v31  }
0x92: {  	v30 =	vmul.f32 v26, v22;
	v22 =	vand.u32 $0x7FFFFFFF, v32;
	v28 =	vsub.f32 $1.500000000e+00, v28  }
0x93: {  	v31 =	vmul.f32 v23, v27;
	v32 =	vmul.f32 v21, v22;
	v22 =	vadd.s32 v1, v34  }
.Ltmp3:
0x94: {  	v33 =	vmul.f32 v30, v26;
	v23 =	vadd.s32 v3, v34;
	v28 =	vmul.f32 v28, v36;
	(pc) =	sbr.rel @p1 .LBB2_6-.Ltmp3, $4  }
0x95: {  	vm0 =	vgt.f32 v12, $0.0e+00;
	v31 =	vsub.f32 $1.500000000e+00, v31;
	v32 =	vmul.f32 $3.000000000e+01, v32  }
0x96: {  	s6 =	sadd.s32 $0x40, s6;
	v33 =	vsub.f32 $1.500000000e+00, v33;
	v34 =	vmul.f32 v28, v35;
	v30 =	vmul.f32 v28, v29  }
0x97: {  	vm1 =	vgt.f32 v37, $0.0e+00;
	v27 =	vmul.f32 v31, v27;
	v29 =	vld [tilespmem:s6+$0x10];
	v31 =	vtrunc.f32 v32  }
0x98: {  	s10 =	sadd.s32 $0x40, s10;
	v26 =	vmul.f32 v33, v26;
	v12 =	vld [tilespmem:s6+$0xFFFFFFE0];
	v28 =	vadd.f32 $-1.999999960e-02, v34;
	v31 =	vcvt.f32.s32 v31  }
0x99: {  	_ = 	snop  }
0x9a: {  	v32 =	vmov v9;
	v9 =	vmov v28  }
.LBB2_8:
0x9b: {  	vm2 =	vlt.s32 v31, $0x1D;
	v18 =	vmul.f32 v27, v18  }
0x9c: {  	v28 =	vnsel vm2, $0x1D, v31  }
0x9d: {  	vm11 =	vgt.f32 v29, $0.0e+00;
	v28 =	vshll.u32 v28, $0x4;
	v18 =	vmul.f32 $3.000000000e+01, v18  }
0x9e: {  	v24 =	vmul.f32 v26, v24;
	v54 =	vmul.f32 $3.000000000e+01, v30;
	v8 =	vadd.s32 v8, v28  }
0x9f: {  	v10 =	vmul.f32 v21, v10;
	v7 =	vadd.s32 v7, v28;
	v18 =	vtrunc.f32 v18  }
0xa0: {  	v55 =	vld [tilespmem:s6+$0xFFFFFFF0];
	v21 =	vtrunc.f32 v54;
	v18 =	vcvt.f32.s32 v18  }
0xa1: {  	vm3 =	vgt.f32 @p0 v25, $0.0e+00;
	v60 =	vld [tilespmem:s6+$0x0];
	v24 =	vmul.f32 $3.000000000e+01, v24;
	v56 =	vcvt.f32.s32 v21  }
0xa2: {  	[tilespmem:v19+s5+$0x0] =	vst.idx.add.f32.msk @p0 vm0, v0;
	v10 =	vadd.f32 $-1.999999960e-02, v10;
	vm13 =	vgt.f32 v12, $0.0e+00;
	vm4 =	vlt.s32 v18, $0x1D  }
0xa3: {  	v57 =	vtrunc.f32 v24;
	vm12 =	vlt.s32 v56, $0x1D;
	[tilespmem:v8+s5+$0x0] =	vst.idx.add.f32.msk vm11, v0;
	v59 =	vnsel vm4, $0x1D, v18  }
0xa4: {  	v58 =	vcvt.f32.s32 v57;
	v8 =	vnsel vm12, $0x1D, v56;
	[tilespmem:v7+s5+$0x0] =	vst.idx.add.f32.msk vm11, v10;
	v10 =	vshll.u32 v59, $0x4  }
0xa5: {  	[tilespmem:v20+s5+$0x0] =	vst.idx.add.f32.msk @p0 vm1, v0;
	vm14 =	vgt.f32 v55, $0.0e+00;
	v8 =	vshll.u32 v8, $0x4;
	v4 =	vor.u32 v4, v10  }
0xa6: {  	[tilespmem:v16+s5+$0x0] =	vst.idx.add.f32.msk @p0 vm0, v15;
	vm5 =	vlt.s32 v58, $0x1D;
	v5 =	vadd.s32 v5, v8  }
0xa7: {  	v61 =	vmul.f32 v27, v13;
	[tilespmem:v17+s5+$0x0] =	vst.idx.add.f32.msk @p0 vm1, v32;
	v7 =	vnsel vm5, $0x1D, v58;
	v6 =	vadd.s32 v6, v10  }
0xa8: {  	vm15 =	vgt.f32 v60, $0.0e+00;
	[tilespmem:v22+s5+$0x0] =	vst.idx.add.f32.msk @p0 vm3, v0;
	v7 =	vshll.u32 v7, $0x4;
	v2 =	vadd.s32 v2, v8  }
0xa9: {  	[tilespmem:v23+s5+$0x0] =	vst.idx.add.f32.msk @p0 vm3, v14;
	v1 =	vadd.s32 v1, v7  }
0xaa: {  	v62 =	vadd.f32 $-1.999999960e-02, v61;
	v3 =	vadd.s32 v3, v7;
	[tilespmem:v4+s5+$0x0] =	vst.idx.add.f32.msk vm13, v0  }
0xab: {  	v63 =	vmul.f32 v26, v11;
	[tilespmem:v5+s5+$0x0] =	vst.idx.add.f32.msk vm14, v0  }
0xac: {  	[tilespmem:v6+s5+$0x0] =	vst.idx.add.f32.msk vm13, v62  }
0xad: {  	v4 =	vadd.f32 $-1.999999960e-02, v63;
	[tilespmem:v2+s5+$0x0] =	vst.idx.add.f32.msk vm14, v9  }
0xae: {  	[tilespmem:v1+s5+$0x0] =	vst.idx.add.f32.msk vm15, v0  }
0xaf: {  	[tilespmem:v3+s5+$0x0] =	vst.idx.add.f32.msk vm15, v4  }
0xb0: {  	s31 =	simm.s32 $0x12600;
	[bflag:$0x0] =	sbarrier.arrive $0xFFFF  }
0xb1: {  	v0 =	vld [tilespmem:s31+$0x3C0]  }
0xb2: {  	s7 =	simm.s32 $0x0;
	v1 =	vld [tilespmem:s31+$0x0]  }
0xb3: {  	s7 =	sand.u32 $0x3F0, s7  }
0xb4: {  	v2 =	vld [tilespmem:s7+$0x12D80];
	_ =	sdelay $0x1  }
0xb5: {  	v3 =	vld [tilespmem:s31+$0xB40]  }
0xb6: {  	v0 =	vadd.f32 v0, v1;
	_ =	sdelay $0x1  }
0xb7: {  	v0 =	vadd.f32 v2, v0;
	_ =	sdelay $0x1  }
0xb8: {  	v0 =	vadd.f32 v3, v0  }
0xb9: {  	s5 =	simm.s32 $0x13500  }
0xba: {  	s6 =	simm.s32 $0x12610;
	[tilespmem:s5+$0x0] =	vst v0  }
0xbb: {  	v0 =	vld [tilespmem:s6+$0x3C0]  }
0xbc: {  	s8 =	simm.s32 $0x20;
	s7 =	simm.s32 $0x10;
	v1 =	vld [tilespmem:s6+$0x0]  }
.LBB2_9:
0xbd: {  	p0 =	sne.s32 s8, $0x3B0;
	s9 =	sand.u32 $0x3F0, s7;
	s7 =	smov.u32 s8  }
0xbe: {  	v2 =	vld [tilespmem:s9+$0x12D80];
	_ =	sdelay $0x1  }
0xbf: {  	v3 =	vld [tilespmem:s6+$0xB40]  }
0xc0: {  	v0 =	vadd.f32 v0, v1;
	_ =	sdelay $0x1  }
0xc1: {  	v0 =	vadd.f32 v2, v0;
	_ =	sdelay $0x1  }
.Ltmp4:
0xc2: {  	v0 =	vadd.f32 v3, v0;
	(pc) =	sbr.rel @p0 .LBB2_9-.Ltmp4, $4  }
0xc3: {  	s5 =	sadd.s32 $0x10, s5  }
0xc4: {  	s6 =	sadd.s32 $0x10, s6;
	[tilespmem:s5+$0x0] =	vst v0  }
0xc5: {  	v0 =	vld [tilespmem:s6+$0x3C0]  }
0xc6: {  	s8 =	sadd.s32 $0x10, s8;
	v1 =	vld [tilespmem:s6+$0x0]  }
0xc7: {  	s7 =	sand.u32 $0x3F0, s7  }
0xc8: {  	v2 =	vld [tilespmem:s7+$0x12D80];
	_ =	sdelay $0x1  }
0xc9: {  	v3 =	vld [tilespmem:s6+$0xB40]  }
0xca: {  	v0 =	vadd.f32 v0, v1;
	_ =	sdelay $0x1  }
0xcb: {  	v0 =	vadd.f32 v2, v0;
	_ =	sdelay $0x1  }
0xcc: {  	v0 =	vadd.f32 v3, v0  }
0xcd: {  	s5 =	sadd.s32 $0x10, s5  }
0xce: {  	s31 =	simm.s32 $0x13500;
	[tilespmem:s5+$0x0] =	vst v0  }
0xcf: {  	[spmem:s4] =	stream.linear.scatter [tilespmem:s31], [sflag:$0x2], $0x3C0, $0x38;
	[tilespmem:$0x178C0] =	vst v63  }
0xd0: {  	s4 =	simm.s32 $0x2  }
0xd1: {  	_ =	swait.ge [sflag:s4], $0x3C0  }
0xd2: {  	[sflag:s4] =	ssyncset.done $0x0  }
0xd3: {  	[sflag:s4] =	ssyncadd.s32 $0xFFFFFC40  }
0xd4: {  	p0 =	sne.s32 s3, $0x0;
	[bflag:$0x0] =	sbarrier.arrive $0xFFFF  }
0xd5: {  	_ =	sfence.sel @p0 $0x180000  }
0xd6: {  	[bflag:$0x0] =	sbarrier.arrive @p0 $0xFFFF  }
0xd7: {  	_ =	strace @p0 $0x90000047  }
0xd8: {  	[bflag:$0x2] =	sbarrier.arrive @p0 $0xFFFF  }
0xd9: {  	_ =	shalt @p0  }
.LBB2_11:
0xda: {  	s3 =	simm.s32 $0x13CC0  }
0xdb: {  	[tilespmem:s3], [sflag:$0x2] =	stream.linear.gather [spmem:s2], $0x3C00, $0x38;
	[tilespmem:$0x178C0] =	vst v63  }
0xdc: {  	_ =	swait.ge [sflag:s4], $0x3C00  }
0xdd: {  	[sflag:s4] =	ssyncset.done $0x0  }
0xde: {  	s2 =	simm.s32 $0xFFFFFC40;
	[sflag:s4] =	ssyncadd.s32 $0xFFFFC400  }
0xdf: {  	s3 =	simm.s32 $0xFFFFF140;
	v0 =	vld [tilespmem:s2+$0x14440]  }
.LBB2_12:
0xe0: {  	p0 =	sne.s32 s3, $0xFFFFFFC0;
	v1 =	vld [tilespmem:s2+$0x14080];
	_ =	sdelay $0x1  }
0xe1: {  	v2 =	vld [tilespmem:s2+$0x14800];
	_ =	sdelay $0x1  }
0xe2: {  	v3 =	vld [tilespmem:s2+$0x14BC0]  }
0xe3: {  	v0 =	vadd.f32 v0, v1  }
0xe4: {  	v1 =	vld [tilespmem:s2+$0x14F80]  }
0xe5: {  	v0 =	vadd.f32 v2, v0  }
0xe6: {  	v2 =	vld [tilespmem:s2+$0x15340]  }
0xe7: {  	v0 =	vadd.f32 v3, v0  }
0xe8: {  	v3 =	vld [tilespmem:s2+$0x15700]  }
0xe9: {  	v0 =	vadd.f32 v1, v0  }
0xea: {  	v1 =	vld [tilespmem:s2+$0x15AC0]  }
0xeb: {  	v0 =	vadd.f32 v2, v0  }
0xec: {  	v2 =	vld [tilespmem:s2+$0x15E80]  }
0xed: {  	v0 =	vadd.f32 v3, v0  }
0xee: {  	v3 =	vld [tilespmem:s2+$0x16240]  }
0xef: {  	v0 =	vadd.f32 v1, v0  }
0xf0: {  	v1 =	vld [tilespmem:s2+$0x16600]  }
0xf1: {  	v0 =	vadd.f32 v2, v0  }
0xf2: {  	v2 =	vld [tilespmem:s2+$0x169C0]  }
0xf3: {  	v0 =	vadd.f32 v3, v0  }
0xf4: {  	v3 =	vld [tilespmem:s2+$0x16D80]  }
0xf5: {  	v0 =	vadd.f32 v1, v0  }
0xf6: {  	v1 =	vld [tilespmem:s2+$0x17140]  }
0xf7: {  	v0 =	vadd.f32 v2, v0  }
0xf8: {  	v2 =	vld [tilespmem:s2+$0x17500]  }
0xf9: {  	v0 =	vadd.f32 v3, v0  }
0xfa: {  	v3 =	vld [tilespmem:s2+$0x178C0]  }
0xfb: {  	v0 =	vadd.f32 v1, v0;
	_ =	sdelay $0x1  }
.Ltmp5:
0xfc: {  	v0 =	vadd.f32 v2, v0;
	(pc) =	sbr.rel @p0 .LBB2_12-.Ltmp5, $4  }
0xfd: {  	_ = 	snop  }
0xfe: {  	v1 =	vadd.f32 v3, v0  }
0xff: {  	s4 =	sshra.s32 s3, $0x2  }
0x100: {  	s3 =	sadd.s32 $0x40, s3;
	v0 =	vld [tilespmem:s4+$0x14440];
	[tilespmem:s2+$0x14080] =	vst v1;
	s2 =	smov.u32 s4  }
0x101: {  	v1 =	vld [tilespmem:s2+$0x14080];
	_ =	sdelay $0x1  }
0x102: {  	v2 =	vld [tilespmem:s2+$0x14800];
	_ =	sdelay $0x1  }
0x103: {  	v3 =	vld [tilespmem:s2+$0x14BC0]  }
0x104: {  	v0 =	vadd.f32 v0, v1  }
0x105: {  	v1 =	vld [tilespmem:s2+$0x14F80]  }
0x106: {  	v0 =	vadd.f32 v2, v0  }
0x107: {  	v2 =	vld [tilespmem:s2+$0x15340]  }
0x108: {  	v0 =	vadd.f32 v3, v0  }
0x109: {  	v3 =	vld [tilespmem:s2+$0x15700]  }
0x10a: {  	v0 =	vadd.f32 v1, v0  }
0x10b: {  	v1 =	vld [tilespmem:s2+$0x15AC0]  }
0x10c: {  	v0 =	vadd.f32 v2, v0  }
0x10d: {  	v2 =	vld [tilespmem:s2+$0x15E80]  }
0x10e: {  	v0 =	vadd.f32 v3, v0  }
0x10f: {  	v3 =	vld [tilespmem:s2+$0x16240]  }
0x110: {  	v0 =	vadd.f32 v1, v0  }
0x111: {  	v1 =	vld [tilespmem:s2+$0x16600]  }
0x112: {  	v0 =	vadd.f32 v2, v0  }
0x113: {  	v2 =	vld [tilespmem:s2+$0x169C0]  }
0x114: {  	v0 =	vadd.f32 v3, v0  }
0x115: {  	v3 =	vld [tilespmem:s2+$0x16D80]  }
0x116: {  	v0 =	vadd.f32 v1, v0  }
0x117: {  	v1 =	vld [tilespmem:s2+$0x17140]  }
0x118: {  	v0 =	vadd.f32 v2, v0  }
0x119: {  	v2 =	vld [tilespmem:s2+$0x17500]  }
0x11a: {  	v0 =	vadd.f32 v3, v0  }
0x11b: {  	v3 =	vld [tilespmem:s2+$0x178C0]  }
0x11c: {  	v0 =	vadd.f32 v1, v0;
	_ =	sdelay $0x1  }
0x11d: {  	v0 =	vadd.f32 v2, v0;
	_ =	sdelay $0x1  }
0x11e: {  	v0 =	vadd.f32 v3, v0;
	_ =	sdelay $0x1  }
0x11f: {  	s30 =	simm.s32 $0x0;
	[tilespmem:s2+$0x14080] =	vst v0  }
0x120: {  	v0 =	vld [tilespmem:s30+$0x13CC0];
	_ =	sdelay $0x4  }
0x121: {  	(xrf2) =	vadd.scan.msk.f32 $0xffff, v0;
	_ =	sdelay $0x3  }
0x122: {  	s3 =	simm.s32 $0x10  }
0x123: {  	v0 =	vld [tilespmem:s3+$0x13CC0];
	_ =	sdelay $0x2  }
0x124: {  	v1 =	vld [tilespmem:s30+$0x13EA0];
	_ =	sdelay $0x1  }
0x125: {  	s31 =	simm.s32 $0x20;
	(xrf2) =	vadd.scan.msk.f32 $0xffff, v0;
	v0, _, _ =	vpop (xrf2)  }
0x126: {  	v3 =	vld [tilespmem:s31+$0x13CC0];
	v2 =	vbroadcast v0, $0xF;
	_ =	sdelay $0x1  }
0x127: {  	(xrf2) =	vadd.scan.msk.f32 $0xffff, v1;
	v0 =	vmax.f32 v2, $1.000000000e+00  }
0x128: {  	(erf) = vrcp.f32 v0;
	v0 =	vld [tilespmem:s3+$0x13EA0];
	_ =	sdelay $0x1  }
0x129: {  	s4 =	simm.s32 $0x30;
	(xrf2) =	vadd.scan.msk.f32 $0xffff, v3  }
0x12a: {  	v1 =	vld [tilespmem:s4+$0x13CC0]  }
0x12b: {  	v5 =	vld [tilespmem:s31+$0x13EA0]  }
0x12c: {  	(xrf2) =	vadd.scan.msk.f32 $0xffff, v0  }
0x12d: {  	v3, _, _ =	vpop (xrf2)  }
0x12e: {  	v3 =	vbroadcast v3, $0xF  }
0x12f: {  	s2 =	simm.s32 $0x40;
	(xrf2) =	vadd.scan.msk.f32 $0xffff, v1  }
0x130: {  	v9 =	vld [tilespmem:s2+$0x13CC0];
	v7, _, _ =	vpop (xrf2);
	v6 =	vmax.f32 v3, $1.000000000e+00;
	(xrf2) =	vadd.scan.msk.f32 $0xffff, v5  }
0x131: {  	(erf) = vrcp.f32 v6;
	_ =	sdelay $0x1  }
0x132: {  	v4 =	vimm.f32 $0.0e+00;
	v6 =	vld [tilespmem:s4+$0x13EA0];
	v1, _, _ =	vpop (xrf2);
	v5 =	vbroadcast v7, $0xF  }
0x133: {  	s3 =	simm.s32 $0x140;
	v0 =	vimm.f32 $0.0e+00;
	v8 =	vbroadcast v1, $0xF;
	v1 =	vimm.f32 $0.0e+00;
	v7 =	vpop (erf)  }
.LBB2_14:
0x134: {  	s4 =	sshra.s32 s3, $0x2;
	p0 =	sne.s32 s3, $0x740;
	s3 =	sadd.s32 $0x40, s3;
	(xrf2) =	vadd.scan.msk.f32 $0xffff, v9;
	v5 =	vmul.f32 v7, v5  }
.Ltmp6:
0x135: {  	vm0 =	vgt.f32 v2, $0.0e+00;
	v2 =	vmov v3;
	v9 =	vld [tilespmem:s4+$0x13CC0];
	v7 =	vmax.f32 v8, $1.000000000e+00;
	v10, _, _ =	vpop (xrf2);
	(pc) =	sbr.rel @p0 .LBB2_14-.Ltmp6, $4  }
0x136: {  	v11 =	vsel vm0, $0x3F800000, v0;
	v3 =	vmovc v8;
	(erf) = vrcp.f32 v7;
	v5 =	vnsel vm0, $0x0, v5  }
0x137: {  	v4 =	vadd.f32 v11, v4;
	(xrf2) =	vadd.scan.msk.f32 $0xffff, v6;
	v1 =	vadd.f32 v5, v1  }
0x138: {  	v5 =	vbroadcast v10, $0xF;
	v6 =	vld [tilespmem:s2+$0x13EA0];
	v7, _, _ =	vpop (xrf2);
	s2 =	smov.u32 s4  }
0x139: {  	v8 =	vbroadcast v7, $0xF;
	v7 =	vpop (erf)  }
0x13a: {  	(xrf2) =	vadd.scan.msk.f32 $0xffff, v9;
	_ =	sdelay $0x4  }
0x13b: {  	v10 =	vld [tilespmem:s2+$0x13EA0]  }
0x13c: {  	vm1 =	vgt.f32 v2, $0.0e+00  }
0x13d: {  	v43, _, _ =	vpop (xrf2);
	v44 =	vsel vm1, $0x3F800000, v0  }
0x13e: {  	vm0 =	vgt.f32 v3, $0.0e+00;
	v46 =	vmax.f32 v8, $1.000000000e+00;
	v4 =	vadd.f32 v44, v4;
	v45, _, _ =	vpop (xrf2)  }
0x13f: {  	v48 =	vsel vm0, $0x3F800000, v0;
	(erf) = vrcp.f32 v46;
	(xrf2) =	vadd.scan.msk.f32 $0xffff, v6;
	v9 =	vbroadcast v45, $0xF;
	v47, _, _ =	vpop (xrf2)  }
0x140: {  	vm2 =	vgt.f32 v8, $0.0e+00;
	v4 =	vadd.f32 v48, v4;
	(xrf2) =	vadd.scan.msk.f32 $0xffff, v10;
	v50, _, _ =	vpop (xrf2)  }
0x141: {  	v52 =	vsel vm2, $0x3F800000, v0;
	v49 =	vmax.f32 v9, $1.000000000e+00;
	v51 =	vbroadcast v50, $0xF  }
0x142: {  	v4 =	vadd.f32 v52, v4;
	vm3 =	vgt.f32 v9, $0.0e+00;
	(erf) = vrcp.f32 v49  }
0x143: {  	v9 =	vsel vm3, $0x3F800000, v0;
	v53 =	vmax.f32 v51, $1.000000000e+00  }
0x144: {  	v4 =	vadd.f32 v9, v4;
	vm4 =	vgt.f32 v51, $0.0e+00;
	(erf) = vrcp.f32 v53  }
0x145: {  	v5 =	vmul.f32 v7, v5;
	v54 =	vsel vm4, $0x3F800000, v0  }
0x146: {  	v2 =	vbroadcast v43, $0xF;
	v0 =	vadd.f32 v54, v4  }
0x147: {  	v55 =	vnsel vm1, $0x0, v5;
	v56 =	vpop (erf)  }
0x148: {  	v2 =	vmul.f32 v56, v2;
	v3 =	vbroadcast v47, $0xF;
	v57 =	vpop (erf);
	v58 =	vmax.f32 v0, $1.000000000e+00  }
0x149: {  	v1 =	vadd.f32 v55, v1;
	v59, _, _ =	vpop (xrf2);
	(erf) = vrcp.f32 v58  }
0x14a: {  	v2 =	vnsel vm0, $0x0, v2;
	v3 =	vmul.f32 v57, v3;
	v4 =	vbroadcast v59, $0xF;
	v61, _, _ =	vpop (xrf2)  }
0x14b: {  	v1 =	vadd.f32 v2, v1;
	v60 =	vpop (erf)  }
0x14c: {  	v3 =	vnsel vm2, $0x0, v3;
	v2 =	vbroadcast v61, $0xF;
	v4 =	vmul.f32 v60, v4  }
0x14d: {  	v1 =	vadd.f32 v3, v1;
	v62 =	vpop (erf)  }
0x14e: {  	v4 =	vnsel vm3, $0x0, v4;
	v2 =	vmul.f32 v62, v2  }
0x14f: {  	v1 =	vadd.f32 v4, v1  }
0x150: {  	v2 =	vnsel vm4, $0x0, v2  }
0x151: {  	v1 =	vadd.f32 v2, v1  }
0x152: {  	v63 =	vpop (erf)  }
0x153: {  	v1 =	vmul.f32 v63, v1  }
0x154: {  	vm15 =	vgt.f32 v0, $0.0e+00  }
0x155: {  	v0 =	vnsel vm15, $0x0, v1  }
0x156: {  	s30 =	simm.s32 $0x0;
	s3 =	simm.s32 $0x13500;
	s31 =	simm.s32 $0x2;
	[tilespmem:$0x13500] =	vst v0  }
0x157: {  	[hbm4b:s1+s30] =	stream.linear.scatter [tilespmem:s3], [sflag:$0x2], $0x10, $0x38;
	[tilespmem:$0x178C0] =	vst v63  }
0x158: {  	_ =	swait.ge [sflag:s31], $0x10  }
0x159: {  	[sflag:s31] =	ssyncset.done $0x0  }
0x15a: {  	[sflag:s31] =	ssyncadd.s32 $0xFFFFFFF0  }
0x15b: {  	_ =	sfence.sel $0x180000  }
0x15c: {  	[bflag:$0x0] =	sbarrier.arrive $0xFFFF  }
0x15d: {  	_ =	strace $0x90000047  }
0x15e: {  	s0 =	sadd.s32 $0x100000, s0;
	[bflag:$0x2] =	sbarrier.arrive $0xFFFF  }
0x15f: {  	[sflag:s0] =	ssyncadd.tile.s32 $0x1;
	_ =	shalt  }
.LBB2_3:
.Ltmp7:
0x160: {  	(pc) =	sbr.rel .LBB2_8-.Ltmp7, $2  }
0x161: {  	_ =	sdelay $0x2  }
0x162: {  	_ = 	snop  }
.LBB2_5:
.Ltmp8:
0x163: {  	(pc) =	sbr.rel .LBB2_8-.Ltmp8, $2  }
0x164: {  	_ =	sdelay $0x2  }
0x165: {  	v32 =	vmov v9;
	v9 =	vmov v28  }
.Lfunc_end2:
_tile_overlayer_lowered:
.L_overlay_start_2:
0x166: {  	(tag) =	ssettag $0x2  }
0x167: {  	s0 =	rddreg [dreg:$0x0];
	s2 =	stileid.u32  }
0x168: {  	s1 =	rddreg [dreg:$0x1];
	p0 =	sne.s32 s2, $0x0  }
0x169: {  	s3 =	rddreg [dreg:$0x2];
	[bflag:$0x3] =	sbarrier.arrive $0xFFFF;
	s2 =	simm.s32 @!p0 $0x1C02  }
0x16a: {  	[timem:s3], [sflag:s2] =	dma.local @!p0 [hbm:s0], s1  }
0x16b: {  	s0 =	simm.s32 @!p0 $0x2  }
0x16c: {  	_ =	swait.ge @!p0 [sflag:s0], s1  }
0x16d: {  	s1 =	ssub.s32 @!p0 $0x0, s1;
	[sflag:s0] =	ssyncset.done @!p0 $0x0  }
0x16e: {  	[sflag:s0] =	ssyncadd.s32 @!p0 s1  }
0x16f: {  	[bflag:$0x3] =	sbarrier.arrive $0xFFFF  }
0x170: {  	_ =	shalt  }

</sc_bundles>
